<compile_context>
chip_gen: v7x
topology: tpu7x:2x2x1
jax: 0.10.2.dev20260603
libtpu: 0.0.44.dev20260713+nightly
codegen_flags: <defaults>
</compile_context>

<pallas_src>
import jax
import jax.numpy as jnp
from jax.experimental import pallas as pl
from jax.experimental.pallas import tpu as pltpu

_DIM = 768
_NEXP = 8
_TOPK = 2
_EPS = 1e-6
_NHEADS = 12

_TOKBLK = 256
_NSPLIT = 2


def _moe_kern(x_ref, comb_ref, gate_ref, up_ref, down_ref, out_ref):
    e = pl.program_id(0)
    i = pl.program_id(1)

    @pl.when((e == 0) & (i == 0))
    def _init():
        out_ref[...] = jnp.zeros_like(out_ref)

    t = x_ref.shape[0]
    dn = (((1,), (1,)), ((), ()))

    def body(ti, _):
        sl = pl.ds(ti * _TOKBLK, _TOKBLK)
        we = comb_ref[0, sl, :]
        xt = x_ref[sl, :]
        g = jax.lax.dot_general(xt, gate_ref[0], dn,
                                preferred_element_type=jnp.float32)
        u = jax.lax.dot_general(xt, up_ref[0], dn,
                                preferred_element_type=jnp.float32)
        h = (g * jax.nn.sigmoid(g) * u).astype(jnp.bfloat16)
        eo = jax.lax.dot_general(h, down_ref[0], dn,
                                 preferred_element_type=jnp.float32)
        eo16 = eo.astype(jnp.bfloat16).astype(jnp.float32)
        out_ref[sl, :] = out_ref[sl, :] + we * eo16
        return 0

    jax.lax.fori_loop(0, t // _TOKBLK, body, 0)


def _moe_pallas(xn, combine_t, lp):
    t, d = xn.shape
    idim = lp['gate'].shape[1]
    ib = idim // _NSPLIT
    x16 = xn.astype(jnp.bfloat16)
    g16 = lp['gate'].astype(jnp.bfloat16)
    u16 = lp['up'].astype(jnp.bfloat16)
    d16 = lp['down'].astype(jnp.bfloat16)
    return pl.pallas_call(
        _moe_kern,
        grid=(_NEXP, _NSPLIT),
        in_specs=[
            pl.BlockSpec((t, d), lambda e, i: (0, 0)),
            pl.BlockSpec((1, t, 1), lambda e, i: (e, 0, 0)),
            pl.BlockSpec((1, ib, d), lambda e, i: (e, i, 0)),
            pl.BlockSpec((1, ib, d), lambda e, i: (e, i, 0)),
            pl.BlockSpec((1, d, ib), lambda e, i: (e, 0, i)),
        ],
        out_specs=pl.BlockSpec((t, d), lambda e, i: (0, 0)),
        out_shape=jax.ShapeDtypeStruct((t, d), jnp.float32),
    )(x16, combine_t, g16, u16, d16)


def _moe(x, lp):
    b, s, d = x.shape
    xf = _rmsnorm(x, lp['norm2']).reshape(-1, d)
    t = xf.shape[0]
    logits = xf @ lp['router'].T
    probs = jax.nn.softmax(logits, axis=-1)
    topv, topi = jax.lax.top_k(probs, _TOPK)
    topv = topv / jnp.sum(topv, axis=-1, keepdims=True)
    combine = jnp.zeros((t, _NEXP), xf.dtype).at[
        jnp.arange(t)[:, None], topi].add(topv)
    combine_t = combine.T.reshape(_NEXP, t, 1)
    out = _moe_pallas(xf, combine_t, lp)
    return out.reshape(b, s, d)


def _rmsnorm(x, w):
    return w * (x * jax.lax.rsqrt(jnp.mean(x * x, axis=-1, keepdims=True) + _EPS))


def _attention(x, lp):
    b, s, d = x.shape
    hd = d // _NHEADS
    scale = hd ** -0.5
    q = (x @ lp['q'].T).reshape(b, s, _NHEADS, hd).transpose(0, 2, 1, 3)
    k = (x @ lp['k'].T).reshape(b, s, _NHEADS, hd).transpose(0, 2, 1, 3)
    v = (x @ lp['v'].T).reshape(b, s, _NHEADS, hd).transpose(0, 2, 1, 3)
    attn = jax.nn.softmax((q @ k.transpose(0, 1, 3, 2)) * scale, axis=-1)
    out = (attn @ v).transpose(0, 2, 1, 3).reshape(b, s, d)
    return out @ lp['o'].T


def kernel(input_ids, params):
    b, s = input_ids.shape
    pos = jnp.arange(s)[None, :]
    x = params['embed_tokens'][input_ids] + params['embed_positions'][pos]
    for lp in params['layers']:
        x = x + _attention(_rmsnorm(x, lp['norm1']), lp)
        x = x + _moe(x, lp)
    x = _rmsnorm(x, params['final_norm'])
    return x @ params['lm_head'].T

# --- scband reference (transcript-rebuilt; emitter-appended) ---
"""Pipeline reference for scband-chinese-ecommerce-mo-e-88424786690746 (READ-ONLY COPY).

The authoritative reference and input builder live on the scoring server;
editing this copy changes nothing except your own understanding.
"""

import jax, jax.numpy as jnp
import numpy as np

VOCAB = 32000
DIM = 768
NLAYERS = 2
NHEADS = 12
IDIM = 2048
NEXP = 8
TOPK = 2
MAXSEQ = 4096
B = 1
S = 2048
EPS = 1e-6


def _rmsnorm(x, w):
    return w * (x * jax.lax.rsqrt(jnp.mean(x * x, axis=-1, keepdims=True) + EPS))


def _attention(x, lp):
    b, s, d = x.shape
    hd = d // NHEADS
    scale = hd ** -0.5
    q = (x @ lp['q'].T).reshape(b, s, NHEADS, hd).transpose(0, 2, 1, 3)
    k = (x @ lp['k'].T).reshape(b, s, NHEADS, hd).transpose(0, 2, 1, 3)
    v = (x @ lp['v'].T).reshape(b, s, NHEADS, hd).transpose(0, 2, 1, 3)
    attn = jax.nn.softmax((q @ k.transpose(0, 1, 3, 2)) * scale, axis=-1)
    out = (attn @ v).transpose(0, 2, 1, 3).reshape(b, s, d)
    return out @ lp['o'].T


def _moe(x, lp):
    # Faithful to the torch masked per-expert loop: non-selected experts get
    # exactly zero combine weight, so dense expert eval + weighted combine is
    # mathematically identical.
    b, s, d = x.shape
    xf = x.reshape(-1, d)
    t = xf.shape[0]
    logits = xf @ lp['router'].T
    probs = jax.nn.softmax(logits, axis=-1)
    topv, topi = jax.lax.top_k(probs, TOPK)
    topv = topv / jnp.sum(topv, axis=-1, keepdims=True)
    g = jnp.einsum('td,ehd->teh', xf, lp['gate'])
    u = jnp.einsum('td,ehd->teh', xf, lp['up'])
    h = jax.nn.silu(g) * u
    eo = jnp.einsum('teh,edh->ted', h, lp['down'])
    combine = jnp.zeros((t, NEXP), xf.dtype).at[jnp.arange(t)[:, None], topi].add(topv)
    out = jnp.einsum('te,ted->td', combine, eo)
    return out.reshape(b, s, d)


def _forward(input_ids, params):
    b, s = input_ids.shape
    pos = jnp.arange(s)[None, :]
    x = params['embed_tokens'][input_ids] + params['embed_positions'][pos]
    for lp in params['layers']:
        x = x + _attention(_rmsnorm(x, lp['norm1']), lp)
        x = x + _moe(_rmsnorm(x, lp['norm2']), lp)
    x = _rmsnorm(x, params['final_norm'])
    return x @ params['lm_head'].T


def setup_inputs(seed: int = 0):
    key = jax.random.key(seed)
    keys = list(jax.random.split(key, 64))
    ki = iter(keys)

    def nrm(shape):
        return jax.random.normal(next(ki), shape, dtype=jnp.float32) * 0.02

    layers = []
    for _ in range(NLAYERS):
        layers.append({
            'q': nrm((DIM, DIM)),
            'k': nrm((DIM, DIM)),
            'v': nrm((DIM, DIM)),
            'o': nrm((DIM, DIM)),
            'router': nrm((NEXP, DIM)),
            'gate': nrm((NEXP, IDIM, DIM)),
            'up': nrm((NEXP, IDIM, DIM)),
            'down': nrm((NEXP, DIM, IDIM)),
            'norm1': jnp.ones((DIM,), jnp.float32),
            'norm2': jnp.ones((DIM,), jnp.float32),
        })
    params = {
        'embed_tokens': nrm((VOCAB, DIM)),
        'embed_positions': nrm((MAXSEQ, DIM)),
        'lm_head': nrm((VOCAB, DIM)),
        'final_norm': jnp.ones((DIM,), jnp.float32),
        'layers': layers,
    }
    input_ids = jax.random.randint(next(ki), (B, S), 0, VOCAB, dtype=jnp.int32)
    return {'input_ids': input_ids, 'params': params}


def reference(input_ids, params):
    return _forward(input_ids, params)

if __name__ == "__main__":
    import jax
    _d = setup_inputs()
    print(jax.jit(kernel)(*tuple(_d.values())))

</pallas_src>

<mosaic_0001>
module {
  func.func @main(%arg0: i32, %arg1: i32, %arg2: i32, %arg3: memref<1x1024x1024xf32, #tpu.memory_space<vmem>>, %arg4: memref<1x1024x64xf32, #tpu.memory_space<vmem>>, %arg5: memref<1x1024x64xf32, #tpu.memory_space<vmem>>, %arg6: memref<1x1024x1xf32, #tpu.memory_space<vmem>>, %arg7: memref<1x1024x1xf32, #tpu.memory_space<vmem>>) attributes {dimension_semantics = [#tpu.dimension_semantics<parallel>, #tpu.dimension_semantics<parallel>, #tpu.dimension_semantics<arbitrary>], iteration_bounds = array<i64: 12, 2, 2>, scratch_operands = 2 : i64, window_params = [{transform_indices = @qk_fn, window_bounds = array<i64: 1, 1024, 1024>}, {transform_indices = @v_fn, window_bounds = array<i64: 1, 1024, 64>}, {transform_indices = @oi_fn, window_bounds = array<i64: 1, 1024, 64>}]} {
    %c0 = arith.constant 0 : index
    %c0_i32 = arith.constant 0 : i32
    %0 = arith.cmpi eq, %c0_i32, %arg2 : i32
    scf.if %0 {
      %cst_3 = arith.constant dense<0.000000e+00> : vector<1x1024x64xf32>
      vector.store %cst_3, %arg5[%c0, %c0, %c0] : memref<1x1024x64xf32, #tpu.memory_space<vmem>>, vector<1x1024x64xf32>
      %cst_4 = arith.constant dense<0xFF800000> : vector<1x1024x1xf32>
      vector.store %cst_4, %arg6[%c0, %c0, %c0] : memref<1x1024x1xf32, #tpu.memory_space<vmem>>, vector<1x1024x1xf32>
      %cst_5 = arith.constant dense<0.000000e+00> : vector<1x1024x1xf32>
      vector.store %cst_5, %arg7[%c0, %c0, %c0] : memref<1x1024x1xf32, #tpu.memory_space<vmem>>, vector<1x1024x1xf32>
    }
    %1 = vector.load %arg3[%c0, %c0, %c0] : memref<1x1024x1024xf32, #tpu.memory_space<vmem>>, vector<1x1024x1024xf32>
    %cst = arith.constant dense<0xFF800000> : vector<1x1024xf32>
    %2 = vector.multi_reduction <maximumf>, %1, %cst [2] : vector<1x1024x1024xf32> to vector<1x1024xf32>
    %3 = vector.shape_cast %2 : vector<1x1024xf32> to vector<1x1024x1xf32>
    %4 = vector.load %arg6[%c0, %c0, %c0] : memref<1x1024x1xf32, #tpu.memory_space<vmem>>, vector<1x1024x1xf32>
    %5 = arith.maximumf %4, %3 : vector<1x1024x1xf32>
    %cst_0 = arith.constant dense<0.000000e+00> : vector<1x1024x1xf32>
    %6 = arith.cmpf oeq, %4, %5 : vector<1x1024x1xf32>
    %7 = arith.subf %4, %5 : vector<1x1024x1xf32>
    %8 = arith.select %6, %cst_0, %7 : vector<1x1024x1xi1>, vector<1x1024x1xf32>
    %9 = vector.broadcast %5 : vector<1x1024x1xf32> to vector<1x1024x1024xf32>
    %10 = arith.subf %1, %9 : vector<1x1024x1024xf32>
    %11 = math.exp %10 : vector<1x1024x1024xf32>
    %cst_1 = arith.constant dense<0.000000e+00> : vector<1x1024xf32>
    %12 = vector.multi_reduction <add>, %11, %cst_1 [2] : vector<1x1024x1024xf32> to vector<1x1024xf32>
    %13 = vector.shape_cast %12 : vector<1x1024xf32> to vector<1x1024x1xf32>
    %14 = vector.load %arg7[%c0, %c0, %c0] : memref<1x1024x1xf32, #tpu.memory_space<vmem>>, vector<1x1024x1xf32>
    %15 = math.exp %8 : vector<1x1024x1xf32>
    %16 = arith.mulf %15, %14 : vector<1x1024x1xf32>
    %17 = arith.addf %16, %13 : vector<1x1024x1xf32>
    %18 = vector.load %arg5[%c0, %c0, %c0] : memref<1x1024x64xf32, #tpu.memory_space<vmem>>, vector<1x1024x64xf32>
    %19 = math.exp %8 : vector<1x1024x1xf32>
    %20 = arith.mulf %19, %14 : vector<1x1024x1xf32>
    %21 = vector.broadcast %20 : vector<1x1024x1xf32> to vector<1x1024x64xf32>
    %22 = arith.mulf %21, %18 : vector<1x1024x64xf32>
    %23 = vector.load %arg4[%c0, %c0, %c0] : memref<1x1024x64xf32, #tpu.memory_space<vmem>>, vector<1x1024x64xf32>
    %24 = vector.shape_cast %23 : vector<1x1024x64xf32> to vector<1024x64xf32>
    %25 = vector.shape_cast %11 : vector<1x1024x1024xf32> to vector<1024x1024xf32>
    %26 = vector.shape_cast %22 : vector<1x1024x64xf32> to vector<1024x64xf32>
    %27 = tpu.matmul %25, %24, %26 {dimension_numbers = #tpu.dot_dimension_numbers<[1], [0], [0], [1], [0, 0, 1, 1], [], []>, precision = #tpu.contract_precision<bf16>, transpose_lhs_hint = false} : vector<1024x1024xf32>, vector<1024x64xf32>, vector<1024x64xf32> -> vector<1024x64xf32>
    %28 = vector.shape_cast %27 : vector<1024x64xf32> to vector<1x1024x64xf32>
    %cst_2 = arith.constant dense<1.000000e+00> : vector<1x1024x1xf32>
    %29 = arith.divf %cst_2, %17 : vector<1x1024x1xf32>
    %30 = vector.broadcast %29 : vector<1x1024x1xf32> to vector<1x1024x64xf32>
    %31 = arith.mulf %28, %30 : vector<1x1024x64xf32>
    %32 = vector.shape_cast %31 : vector<1x1024x64xf32> to vector<1x1024x64xf32>
    vector.store %32, %arg5[%c0, %c0, %c0] : memref<1x1024x64xf32, #tpu.memory_space<vmem>>, vector<1x1024x64xf32>
    vector.store %5, %arg6[%c0, %c0, %c0] : memref<1x1024x1xf32, #tpu.memory_space<vmem>>, vector<1x1024x1xf32>
    vector.store %17, %arg7[%c0, %c0, %c0] : memref<1x1024x1xf32, #tpu.memory_space<vmem>>, vector<1x1024x1xf32>
    return
  }
  func.func @qk_fn(%arg0: i32, %arg1: i32, %arg2: i32) -> (i32, i32, i32) {
    return %arg0, %arg1, %arg2 : i32, i32, i32
  }
  func.func @v_fn(%arg0: i32, %arg1: i32, %arg2: i32) -> (i32, i32, i32) {
    %c0_i32 = arith.constant 0 : i32
    return %arg0, %arg2, %c0_i32 : i32, i32, i32
  }
  func.func @oi_fn(%arg0: i32, %arg1: i32, %arg2: i32) -> (i32, i32, i32) {
    %c0_i32 = arith.constant 0 : i32
    return %arg0, %arg1, %c0_i32 : i32, i32, i32
  }
}

</mosaic_0001>

<sc_bundles>
// kernel: gather_offload_async_start.1
scs
__scs_entry_jumppad:
0x0: {  	(pc) =	sbr.rel $0x88, $3  }
0x1: {  	(tag) =	ssettag $0x0;
	lr =	simm.s32 $0x1  }
0x2: {  	[smem:$0x3F8A] =	sst lr;
	_ =	strace $0xD0000000  }
0x3: {  	_ = 	snop  }
0x4: {  	_ = 	snop  }
0x5: {  	_ = 	snop  }
0x6: {  	_ = 	snop  }
0x7: {  	_ = 	snop  }
__scs_overlays_trampoline_lowered:
0x8: {  	[smem:$0x3F99] =	sst s0  }
0x9: {  	[smem:$0x3F9A] =	sst s1  }
0xa: {  	[smem:$0x3F9B] =	sst s2  }
0xb: {  	[smem:$0x3F9C] =	sst s3  }
0xc: {  	[smem:$0x3F9D] =	sst s4  }
0xd: {  	[smem:$0x3F9E] =	sst s5  }
0xe: {  	[smem:$0x3F9F] =	sst s6  }
0xf: {  	[smem:$0x3FA0] =	sst s7  }
0x10: {  	[smem:$0x3FA1] =	sst s8  }
0x11: {  	[smem:$0x3FA2] =	sst s9;
	s0 =	simm.s32 @!p0 $0x0  }
0x12: {  	s1 =	sld [smem:$0x3F88];
	s0 =	simm.s32 @p0 $0x1  }
0x13: {  	[smem:$0x3FA3] =	sst s0;
	s0 =	simm.s32 @!p1 $0x0  }
0x14: {  	s2 =	sld [smem:$0x3F87];
	s0 =	simm.s32 @p1 $0x1  }
0x15: {  	[smem:$0x3FA4] =	sst s0;
	s0 =	simm.s32 @!p2 $0x0  }
0x16: {  	s3 =	sld [smem:$0x3FDB];
	s0 =	simm.s32 @p2 $0x1  }
0x17: {  	s4 =	simm.s32 $0x1BF5;
	[smem:$0x3FA6] =	sst s0  }
0x18: {  	s0 =	sld [smem:$0x3F89];
	_ =	swait.ge [sflag:s4], $0x0  }
0x19: {  	s7 =	sld [smem:$0x3F8A]  }
0x1a: {  	s8 =	sadd.s32 $0xFFFFE003, lr  }
0x1b: {  	s9 =	sadd.s32 $0xFFFFFEF7, lr;
	s5 =	simm.s32 $0xFFFFFFFF;
	p2 =	slt.u32 s8, $0xFFFFF086  }
0x1c: {  	p1 =	slt.u32 s9, $0xF7A;
	s5 =	simm.s32 @!p2 $0x0  }
0x1d: {  	s5 =	simm.s32 @p1 $0x1;
	p0 =	seq.s32 s7, s2  }
0x1e: {  	s7 =	smul.u32 @!p0 $0xF7A, s2;
	p2 =	seq.s32 @!p0 s5, $0x0  }
0x1f: {  	s9 =	smul.u32 $0xF7A, s1;
	s8 =	simm.s32 @!p0 $0x1BF5;
	p2 =	por !p2, p0  }
0x20: {  	[sflag:s8] =	ssyncset.s32 @!p0 $0xFFFFF086;
	s6 =	sadd.s32 @!p0 s3, s7;
	s7 =	simm.s32 @!p0 $0x108  }
0x21: {  	s3 =	sadd.s32 s3, s9;
	s6 =	sadd.s32 @!p0 $0x88, s6;
	s7 =	simm.s32 @p2 $0x1082  }
0x22: {  	[simem:s7], [sflag:s8] =	dma.local @!p0 [hbm:s6], $0xF7A  }
0x23: {  	s9 =	sor.u32 $0xD0000000, s2;
	s6 =	simm.s32 $0x108;
	_ =	swait.ge @!p0 [sflag:s8], $0x0  }
0x24: {  	s3 =	sadd.s32 $0x88, s3;
	s6 =	simm.s32 @!p1 $0x1082;
	[sflag:s4] =	ssyncset.s32 $0xFFFFF086  }
0x25: {  	[simem:s6], [sflag:s4] =	dma.local [hbm:s3], $0xF7A  }
0x26: {  	[smem:$0x3F8A] =	sst s1;
	(tag) =	ssettag s2;
	_ =	strace s9  }
0x27: {  	s1 =	sld [smem:$0x3F9A]  }
0x28: {  	s2 =	sld [smem:$0x3F9B]  }
0x29: {  	s4 =	sld [smem:$0x3F9D]  }
0x2a: {  	p0 =	seq.s32 s5, $0x0;
	s5 =	sld [smem:$0x3F9E]  }
0x2b: {  	s6 =	sld [smem:$0x3F9F]  }
0x2c: {  	s7 =	sld [smem:$0x3FA0]  }
0x2d: {  	s3 =	simm.s32 $0x108;
	s8 =	sld [smem:$0x3FA1]  }
0x2e: {  	s3 =	simm.s32 @!p0 $0x1082;
	s9 =	sld [smem:$0x3FA2]  }
0x2f: {  	lr =	sadd.s32 s0, s3;
	s0 =	sld [smem:$0x3F99]  }
0x30: {  	s3 =	sld [smem:$0x3F9C]  }
0x31: {  	[smem:$0x3FA5] =	sst s10  }
0x32: {  	s10 =	sld [smem:$0x3FA3];
	_ =	sdelay $0x3  }
0x33: {  	p0 =	seq.s32 s10, $0x1;
	s10 =	sld [smem:$0x3FA5];
	_ =	sdelay $0x3  }
0x34: {  	[smem:$0x3FA5] =	sst s10  }
0x35: {  	s10 =	sld [smem:$0x3FA4];
	_ =	sdelay $0x3  }
0x36: {  	p1 =	seq.s32 s10, $0x1;
	s10 =	sld [smem:$0x3FA5];
	_ =	sdelay $0x3  }
0x37: {  	[smem:$0x3FA5] =	sst s10  }
0x38: {  	s10 =	sld [smem:$0x3FA6]  }
0x39: {  	_ = 	snop;
	(pc) =	sbr.ind lr, $3  }
0x3a: {  	_ = 	snop  }
0x3b: {  	_ = 	snop  }
0x3c: {  	p2 =	seq.s32 s10, $0x1;
	s10 =	sld [smem:$0x3FA5]  }
0x3d: {  	_ =	shalt  }
0x3e: {  	_ =	shalt  }
0x3f: {  	_ =	shalt  }
0x40: {  	_ =	shalt  }
0x41: {  	_ =	shalt  }
0x42: {  	_ =	shalt  }
0x43: {  	_ =	shalt  }
0x44: {  	_ =	shalt  }
0x45: {  	_ =	shalt  }
0x46: {  	_ =	shalt  }
0x47: {  	_ =	shalt  }
0x48: {  	_ =	shalt  }
0x49: {  	_ =	shalt  }
0x4a: {  	_ =	shalt  }
0x4b: {  	_ =	shalt  }
0x4c: {  	_ =	shalt  }
0x4d: {  	_ =	shalt  }
0x4e: {  	_ =	shalt  }
0x4f: {  	_ =	shalt  }
0x50: {  	_ =	shalt  }
0x51: {  	_ =	shalt  }
0x52: {  	_ =	shalt  }
0x53: {  	_ =	shalt  }
0x54: {  	_ =	shalt  }
0x55: {  	_ =	shalt  }
0x56: {  	_ =	shalt  }
0x57: {  	_ =	shalt  }
0x58: {  	_ =	shalt  }
0x59: {  	_ =	shalt  }
0x5a: {  	_ =	shalt  }
0x5b: {  	_ =	shalt  }
0x5c: {  	_ =	shalt  }
0x5d: {  	_ =	shalt  }
0x5e: {  	_ =	shalt  }
0x5f: {  	_ =	shalt  }
0x60: {  	_ =	shalt  }
0x61: {  	_ =	shalt  }
0x62: {  	_ =	shalt  }
0x63: {  	_ =	shalt  }
0x64: {  	_ =	shalt  }
0x65: {  	_ =	shalt  }
0x66: {  	_ =	shalt  }
0x67: {  	_ =	shalt  }
0x68: {  	_ =	shalt  }
0x69: {  	_ =	shalt  }
0x6a: {  	_ =	shalt  }
0x6b: {  	_ =	shalt  }
0x6c: {  	_ =	shalt  }
0x6d: {  	_ =	shalt  }
0x6e: {  	_ =	shalt  }
0x6f: {  	_ =	shalt  }
0x70: {  	_ =	shalt  }
0x71: {  	_ =	shalt  }
0x72: {  	_ =	shalt  }
0x73: {  	_ =	shalt  }
0x74: {  	_ =	shalt  }
0x75: {  	_ =	shalt  }
0x76: {  	_ =	shalt  }
0x77: {  	_ =	shalt  }
0x78: {  	_ =	shalt  }
0x79: {  	_ =	shalt  }
0x7a: {  	_ =	shalt  }
0x7b: {  	_ =	shalt  }
0x7c: {  	_ =	shalt  }
0x7d: {  	_ =	shalt  }
0x7e: {  	_ =	shalt  }
0x7f: {  	_ =	shalt  }
0x80: {  	_ =	shalt  }
0x81: {  	_ =	shalt  }
0x82: {  	_ =	shalt  }
0x83: {  	_ =	shalt  }
0x84: {  	_ =	shalt  }
0x85: {  	_ =	shalt  }
0x86: {  	_ =	shalt  }
0x87: {  	_ =	shalt  }
.Lfunc_end0:
.L_simem_size_0:
called_computation.3_lowered:
.L_overlay_start_0:
0x88: {  	s2 =	sld [smem:$0x3FD9]  }
0x89: {  	s3 =	sld [smem:$0x3FFE];
	_ =	sdelay $0x1  }
0x8a: {  	s1 =	srdreg.scid  }
0x8b: {  	s0 =	sand.u32 $0x1, s1  }
0x8c: {  	s17 =	sshll.u32 s0, $0xA;
	s2 =	sadd.s32 s3, s2  }
0x8d: {  	s2 =	sadd.s32 s2, s17  }
0x8e: {  	[smem:$0x3FB1] =	sst s2  }
0x8f: {  	_ = 	snop  }
0x90: {  	s4 =	sld [smem:$0x3FC8]  }
0x91: {  	s18 =	sld [smem:$0x3FD0];
	(tm) =	ssettm $0x1  }
0x92: {  	s19 =	sld [smem:$0x3FFB];
	_ =	sdelay $0x3  }
0x93: {  	_ =	strace s19  }
0x94: {  	s2 =	sld [smem:$0x3FFC];
	_ =	sdelay $0x3  }
0x95: {  	_ =	strace s2  }
0x96: {  	s2 =	sld [smem:$0x3FFD];
	_ =	sdelay $0x3  }
0x97: {  	_ =	strace s2  }
0x98: {  	_ =	strace $0x8FFFFFFF  }
0x99: {  	s20 =	sld [smem:$0x3FDB];
	_ =	sdelay $0x1  }
0x9a: {  	s5 =	simm.s32 $_scs_section_size  }
0x9b: {  	s6 =	simm.s32 $_size__tile_overlayer_lowered;
	s7 =	simm.s32 $_tile_overlayer_lowered  }
0x9c: {  	s8 =	simm.s32 $0x1BFF;
	s21 =	sshll.u32 s7, $0x1;
	s5 =	sadd.s32 s5, s20  }
0x9d: {  	s22 =	simm.s32 $0x0;
	s6 =	sshll.u32 s6, $0x1;
	s7 =	sadd.s32 s21, s5  }
0x9e: {  	[timem:s22], [sflag:s8] =	dma.local [hbm:s7], s6  }
0x9f: {  	_ =	swait.ge [sflag:s8], s6  }
0xa0: {  	s6 =	ssub.s32 $0x0, s6;
	[sflag:s8] =	ssyncset.done $0x0  }
0xa1: {  	[sflag:s8] =	ssyncadd.s32 s6;
	_ =	sdelay $0x1  }
0xa2: {  	s23 =	simm.s32 $0x1B8B  }
0xa3: {  	_ =	swait.ge [sflag:s23], $0x1  }
0xa4: {  	[sflag:s23] =	ssyncset.done $0x0  }
0xa5: {  	[sflag:s23] =	ssyncadd.s32 $0xFFFFFFFF  }
0xa6: {  	s6 =	sld [smem:$0x0]  }
0xa7: {  	s7 =	sand.u32 $0xFFFFFFFE, s1  }
0xa8: {  	p0 =	sne.s32 s1, s7  }
0xa9: {  	s7 =	sshll.u32 @p0 s7, $0xE  }
0xaa: {  	s7 =	sadd.s32 @p0 $0x11B8D, s7;
	s8 =	sshll.u32 @p0 s6, $0x11  }
0xab: {  	s7 =	sor.u32 @p0 s8, s7  }
0xac: {  	[sflag:s7] =	ssyncadd.remote.s32 @p0 $0x1;
	_ =	sdelay $0x1  }
0xad: {  	s7 =	simm.s32 @p0 $0x1B8D  }
0xae: {  	_ =	swait.eq @p0 [sflag:s7], $0x1  }
0xaf: {  	[sflag:s7] =	ssyncadd.s32 @p0 $0xFFFFFFFF  }
0xb0: {  	s8 =	sshll.u32 @!p0 s1, $0xE  }
0xb1: {  	s8 =	sor.u32 @!p0 $0x4000, s8;
	s7 =	simm.s32 @!p0 $0x1B8D  }
0xb2: {  	s6 =	sshll.u32 @!p0 s6, $0x11;
	s8 =	sadd.s32 @!p0 $0x11B8D, s8;
	_ =	swait.eq @!p0 [sflag:s7], $0x1  }
0xb3: {  	s6 =	sor.u32 @!p0 s6, s8;
	[sflag:s7] =	ssyncadd.s32 @!p0 $0xFFFFFFFF  }
0xb4: {  	s25 =	simm.s32 $0x1B8E;
	s24 =	sld [smem:$0x3FFE];
	[sflag:s6] =	ssyncadd.remote.s32 @!p0 $0x1  }
0xb5: {  	s26 =	simm.s32 $execute0_lowered;
	[smem:$0x3FD2] =	sst s25  }
0xb6: {  	s7 =	sshll.u32 s26, $0x1;
	_ =	strace $0x80000049;
	[dreg:$0x1] =	wrdreg $0xFFFFFFFF  }
0xb7: {  	s28 =	simm.s32 $_size_execute0_lowered;
	s5 =	sadd.s32 s5, s7;
	[dreg:$0x0] =	wrdreg $0x0  }
0xb8: {  	s7 =	sshll.u32 s28, $0x1;
	[dreg:$0x2] =	wrdreg s5  }
0xb9: {  	[dreg:$0x3] =	wrdreg s7  }
0xba: {  	[dreg:$0x4] =	wrdreg $0xC0  }
0xbb: {  	_ =	task [dreg:s22], $0x5FFFF  }
0xbc: {  	[dreg:$0x1] =	wrdreg $0xFFFFFFFF  }
0xbd: {  	[dreg:$0x0] =	wrdreg $0x60  }
0xbe: {  	[dreg:$0x2] =	wrdreg s4  }
0xbf: {  	[dreg:$0x3] =	wrdreg s24  }
0xc0: {  	[dreg:$0x4] =	wrdreg s18  }
0xc1: {  	[dreg:$0x5] =	wrdreg $0xA  }
0xc2: {  	_ =	task.clear_ibuf [dreg:s22], $0x6FFFF;
	_ =	strace $0x90000049  }
0xc3: {  	s29 =	simm.s32 $0xA;
	_ =	strace $0x8000004B  }
0xc4: {  	_ =	swait.ge [sflag:s29], $0x1  }
0xc5: {  	[sflag:s29] =	ssyncadd.s32 $0xFFFFFFFF  }
0xc6: {  	_ =	strace $0x9000004B  }
0xc7: {  	_ =	sfence  }
0xc8: {  	s30 =	sld [smem:$0x0];
	_ =	sdelay $0x2  }
0xc9: {  	s31 =	sshll.u32 s1, $0xD;
	s1 =	sshrl.u32 s1, $0x2  }
0xca: {  	s4 =	sand.u32 $0x4000, s31;
	s1 =	sadd.s32 s1, s30  }
0xcb: {  	s0 =	sor.u32 s4, s0;
	s1 =	sshll.u32 s1, $0x11  }
0xcc: {  	s0 =	sor.u32 s1, s0  }
0xcd: {  	s0 =	sadd.s32 $0x8F2B, s0  }
0xce: {  	[sflag:s0] =	ssyncadd.remote.s32 $0x1  }
0xcf: {  	_ =	sfence.sel $0xFFFF  }
0xd0: {  	[dreg:$0x0] =	wrdreg $0xFFFFFFFF;
	(pc) =	sbr.abs _section_cstart, $3  }
0xd1: {  	[dreg:$0x1] =	wrdreg $0xFFFFFFFF  }
0xd2: {  	_ =	task.clear_ibuf [dreg:s22], $0x2FFFF;
	_ =	strace $0x9FFFFFFF  }
0xd3: {  	(tm) =	ssettm $0x7FFFFFFF  }
tec
execute0_lowered:
.L_overlay_start_1:
0x0: {  	(tag) =	ssettag $0x1  }
0x1: {  	s2 =	rddreg [dreg:$0x0]  }
0x2: {  	s7 =	rddreg [dreg:$0x1]  }
0x3: {  	s3 =	rddreg [dreg:$0x2]  }
0x4: {  	s0 =	rddreg [dreg:$0x3];
	s1 =	srdreg.scid;
	_ =	strace $0x8000004A  }
0x5: {  	s4 =	simm.s32 $0x1;
	s9 =	simm.s32 $0x3;
	s5 =	sshll.u32 s1, $0x4  }
.Ltmp0:
0x6: {  	s1 =	stileid.u32;
	s5 =	sand.u32 $0x10, s5;
	(pc) =	sbr.rel .LBB2_1-.Ltmp0, $4  }
0x7: {  	s12 =	simm.s32 $0x0;
	s10 =	simm.s32 $0x0;
	s6 =	sor.u32 s1, s5  }
0x8: {  	[sflag:s4] =	ssyncpa.u1 $0x0;
	s5 =	simm.s32 $0x2;
	s6 =	sshll.u32 s6, $0x6  }
0x9: {  	s7 =	sadd.s32 $0x30200, s7;
	[sflag:s5] =	ssyncpa.u1 $0x0;
	s8 =	sadd.s32 $0x40, s6  }
0xa: {  	vm0 =	vmmov $0xff;
	vm1 =	vcmask $0x3F20;
	[sflag:s9] =	ssyncpa.u1 $0x0;
	s9 =	simm.s32 $0x40;
	s11 =	smov.u32 s6  }
.LBB2_11:
0xb: {  	p0 =	seq.s32 s10, $0x2  }
.Ltmp1:
0xc: {  	_ = 	snop;
	(pc) =	sbr.rel @p0 .LBB2_13-.Ltmp1, $1  }
0xd: {  	_ =	sdelay $0x3  }
.LBB2_12:
0xe: {  	s12 =	sadd.s32 $0x40, s11  }
0xf: {  	s13 =	smov.u32 s6;
	p0 =	slt.s32 s12, s8  }
0x10: {  	s13 =	smov.u32 @p0 s12  }
0x11: {  	s10 =	sadd.s32 $0x1, s10;
	s12 =	smov.u32 s11;
	s11 =	smov.u32 s13  }
.LBB2_1:
0x12: {  	p0 =	sne.s32 s10, $0x0  }
.Ltmp2:
0x13: {  	_ = 	snop;
	(pc) =	sbr.rel @!p0 .LBB2_2-.Ltmp2, $1  }
0x14: {  	_ =	sdelay $0x3  }
0x15: {  	s13 =	sand.u32 $0x1, s10  }
0x16: {  	p0 =	seq.s32 s13, $0x0  }
.Ltmp3:
0x17: {  	_ = 	snop;
	(pc) =	sbr.rel @p0 .LBB2_11-.Ltmp3, $1  }
0x18: {  	_ =	sdelay $0x3  }
0x19: {  	_ =	swait.ge [sflag:s5], $0x40  }
0x1a: {  	[sflag:s5] =	ssyncset.done $0x0  }
0x1b: {  	s13 =	simm.s32 $0x0;
	s14 =	simm.s32 $0x80;
	[sflag:s5] =	ssyncadd.s32 $0xFFFFFFC0  }
.LBB2_5:
0x1c: {  	s15 =	sshll.u32 s13, $0x4  }
0x1d: {  	s15 =	sand.u32 $0x3FFFFFF0, s15  }
0x1e: {  	v0 =	vld.msk [tilespmem:s15+$0x40 ss:$0x1], $0xffff;
	_ =	sdelay $0x4  }
0x1f: {  	vm2 =	vgt.s32 v0, $0x0  }
0x20: {  	v0 =	vnsel vm2, $0x0, v0  }
0x21: {  	v0 =	vmin.u32 v0, $0xFFF  }
0x22: {  	v1 =	vshrl.u32 v0, $0x3  }
0x23: {  	v0 =	vshll.u32 v0, $0x7;
	v1 =	vmul.u32 $0x1800, v1  }
0x24: {  	v0 =	vand.u32 $0x380, v0  }
0x25: {  	v0 =	vor.u32 v0, v1  }
0x26: {  	v0 =	vshrl.u32 v0, $0x3;
	_ =	sdelay $0x2  }
0x27: {  	s16 =	sadd.s32 $0xFFFFE800, s14  }
0x28: {  	s31 =	sadd.s32 $0xD800, s16;
	s16 =	sadd.s32 $0xF000, s16;
	s15 =	simm.s32 $0xFFFFB000  }
0x29: {  	v1 =	vadd.s32 $0x80, v0;
	[tilespmem:s31], [sflag:$0x1] =	stream.indirect_vreg.gather [hbm:s2], $0x80, v0, vm0, $0x38;
	[tilespmem:$0x18080] =	vst v63  }
.LBB2_6:
0x2a: {  	[tilespmem:s16], [sflag:$0x1] =	stream.indirect_vreg.gather [hbm:s2], $0x80, v0, vm1, $0x38;
	[tilespmem:$0x18080] =	vst v63  }
0x2b: {  	v0 =	vmov v1;
	p0 =	sne.s32 s15, $0xFFFFF000  }
.Ltmp4:
0x2c: {  	s16 =	sshra.s32 s15, $0x2;
	(pc) =	sbr.rel @p0 .LBB2_6-.Ltmp4, $4  }
0x2d: {  	s15 =	sadd.s32 $0x1000, s15;
	s16 =	sadd.s32 s16, s14  }
0x2e: {  	s17 =	sadd.s32 $0xD800, s16  }
0x2f: {  	[tilespmem:s17], [sflag:$0x1] =	stream.indirect_vreg.gather [hbm:s2], $0x80, v1, vm0, $0x38;
	[tilespmem:$0x18080] =	vst v63  }
0x30: {  	s16 =	sadd.s32 $0xF000, s16;
	v1 =	vadd.s32 $0x80, v1  }
0x31: {  	s13 =	sadd.s32 $0x1, s13  }
0x32: {  	p0 =	sne.s32 s13, $0x4  }
.Ltmp5:
0x33: {  	_ = 	snop;
	(pc) =	sbr.rel @p0 .LBB2_5-.Ltmp5, $3  }
0x34: {  	_ =	sdelay $0x1  }
0x35: {  	[tilespmem:s16], [sflag:$0x1] =	stream.indirect_vreg.gather [hbm:s2], $0x80, v0, vm1, $0x38;
	[tilespmem:$0x18080] =	vst v63  }
0x36: {  	s14 =	sadd.s32 $0x3000, s14  }
0x37: {  	s13 =	sshrl.u32 s12, $0x3  }
0x38: {  	s13 =	smul.u32 $0x300, s13  }
0x39: {  	_ =	swait.ge [sflag:s4], $0xC000;
	s31 =	sshll.u32 s12, $0x4  }
0x3a: {  	s14 =	simm.s32 $0x300;
	s12 =	sand.u32 $0x70, s31;
	s13 =	sadd.s32 s13, s3  }
0x3b: {  	s15 =	simm.s32 $0xD880;
	[sflag:s4] =	ssyncset.done $0x0;
	s12 =	sadd.s32 s12, s13  }
0x3c: {  	[sflag:s4] =	ssyncadd.s32 $0xFFFF4000;
	s13 =	simm.s32 $0xC080;
	s16 =	sadd.s32 $0x0, s12  }
.LBB2_9:
0x3d: {  	[hbm:s16] =	stream.linear.scatter [tilespmem:s13], [sflag:$0x3], $0x1800, $0x38;
	[tilespmem:$0x18080] =	vst v63  }
0x3e: {  	s16 =	smov.u32 s14;
	s13 =	smov.u32 s15;
	p0 =	sne.s32 s14, $0x1500  }
.Ltmp6:
0x3f: {  	s14 =	sadd.s32 $0x300, s14;
	(pc) =	sbr.rel @p0 .LBB2_9-.Ltmp6, $2  }
0x40: {  	_ =	sdelay $0x2  }
0x41: {  	s15 =	sadd.s32 $0x1800, s15;
	s16 =	sadd.s32 s16, s12  }
.Ltmp7:
0x42: {  	(pc) =	sbr.rel .LBB2_11-.Ltmp7, $2  }
0x43: {  	_ =	sdelay $0x2  }
0x44: {  	[hbm:s16] =	stream.linear.scatter [tilespmem:s13], [sflag:$0x3], $0x1800, $0x38;
	[tilespmem:$0x18080] =	vst v63  }
.LBB2_2:
.Ltmp8:
0x45: {  	(pc) =	sbr.rel .LBB2_12-.Ltmp8, $4  }
0x46: {  	_ = 	snop  }
0x47: {  	s12 =	sshrl.u32 s11, $0x3  }
0x48: {  	s13 =	sand.u32 $0x7, s11;
	s12 =	sadd.s32 s7, s12  }
0x49: {  	[tilespmem:s9], [sflag:$0x2] =	stream.linear.gather [hbm4b:s12+s13], $0x40, $0x38;
	[tilespmem:$0x18080] =	vst v63  }
.LBB2_13:
0x4a: {  	s2 =	simm.s32 $0x3  }
0x4b: {  	_ =	swait.ge [sflag:s2], $0xC000  }
0x4c: {  	[sflag:s2] =	ssyncset.done $0x0  }
0x4d: {  	[sflag:s2] =	ssyncadd.s32 $0xFFFF4000  }
0x4e: {  	_ =	sfence.sel $0x180000  }
0x4f: {  	s3 =	simm.s32 $0x2;
	[bflag:$0x0] =	sbarrier.arrive $0xFFFF  }
0x50: {  	[sflag:s3] =	ssyncpa.u1 $0x1  }
0x51: {  	s31 =	simm.s32 $0x1;
	[sflag:s2] =	ssyncpa.u1 $0x1  }
0x52: {  	[sflag:s31] =	ssyncpa.u1 $0x1  }
0x53: {  	p0 =	sne.s32 s1, $0x0;
	_ =	strace $0x9000004A  }
0x54: {  	s0 =	sadd.s32 @!p0 $0x100000, s0;
	[bflag:$0x2] =	sbarrier.arrive $0xFFFF  }
0x55: {  	[sflag:s0] =	ssyncadd.tile.s32 @!p0 $0x1;
	_ =	shalt  }
.Lfunc_end2:
_tile_overlayer_lowered:
.L_overlay_start_2:
0x56: {  	(tag) =	ssettag $0x2  }
0x57: {  	s0 =	rddreg [dreg:$0x0];
	s2 =	stileid.u32  }
0x58: {  	s1 =	rddreg [dreg:$0x1];
	p0 =	sne.s32 s2, $0x0  }
0x59: {  	s3 =	rddreg [dreg:$0x2];
	[bflag:$0x3] =	sbarrier.arrive $0xFFFF;
	s2 =	simm.s32 @!p0 $0x1C01  }
0x5a: {  	[timem:s3], [sflag:s2] =	dma.local @!p0 [hbm:s0], s1  }
0x5b: {  	s0 =	simm.s32 @!p0 $0x1  }
0x5c: {  	_ =	swait.ge @!p0 [sflag:s0], s1  }
0x5d: {  	s1 =	ssub.s32 @!p0 $0x0, s1;
	[sflag:s0] =	ssyncset.done @!p0 $0x0  }
0x5e: {  	[sflag:s0] =	ssyncadd.s32 @!p0 s1  }
0x5f: {  	[bflag:$0x3] =	sbarrier.arrive $0xFFFF  }
0x60: {  	_ =	shalt  }

// kernel: gather_offload_async_start
scs
__scs_entry_jumppad:
0x0: {  	(pc) =	sbr.rel $0x88, $3  }
0x1: {  	(tag) =	ssettag $0x0;
	lr =	simm.s32 $0x1  }
0x2: {  	[smem:$0x3F8A] =	sst lr;
	_ =	strace $0xD0000000  }
0x3: {  	_ = 	snop  }
0x4: {  	_ = 	snop  }
0x5: {  	_ = 	snop  }
0x6: {  	_ = 	snop  }
0x7: {  	_ = 	snop  }
__scs_overlays_trampoline_lowered:
0x8: {  	[smem:$0x3F99] =	sst s0  }
0x9: {  	[smem:$0x3F9A] =	sst s1  }
0xa: {  	[smem:$0x3F9B] =	sst s2  }
0xb: {  	[smem:$0x3F9C] =	sst s3  }
0xc: {  	[smem:$0x3F9D] =	sst s4  }
0xd: {  	[smem:$0x3F9E] =	sst s5  }
0xe: {  	[smem:$0x3F9F] =	sst s6  }
0xf: {  	[smem:$0x3FA0] =	sst s7  }
0x10: {  	[smem:$0x3FA1] =	sst s8  }
0x11: {  	[smem:$0x3FA2] =	sst s9;
	s0 =	simm.s32 @!p0 $0x0  }
0x12: {  	s1 =	sld [smem:$0x3F88];
	s0 =	simm.s32 @p0 $0x1  }
0x13: {  	[smem:$0x3FA3] =	sst s0;
	s0 =	simm.s32 @!p1 $0x0  }
0x14: {  	s2 =	sld [smem:$0x3F87];
	s0 =	simm.s32 @p1 $0x1  }
0x15: {  	[smem:$0x3FA4] =	sst s0;
	s0 =	simm.s32 @!p2 $0x0  }
0x16: {  	s3 =	sld [smem:$0x3FDB];
	s0 =	simm.s32 @p2 $0x1  }
0x17: {  	s4 =	simm.s32 $0x1BF5;
	[smem:$0x3FA6] =	sst s0  }
0x18: {  	s0 =	sld [smem:$0x3F89];
	_ =	swait.ge [sflag:s4], $0x0  }
0x19: {  	s7 =	sld [smem:$0x3F8A]  }
0x1a: {  	s8 =	sadd.s32 $0xFFFFE003, lr  }
0x1b: {  	s9 =	sadd.s32 $0xFFFFFEF7, lr;
	s5 =	simm.s32 $0xFFFFFFFF;
	p2 =	slt.u32 s8, $0xFFFFF086  }
0x1c: {  	p1 =	slt.u32 s9, $0xF7A;
	s5 =	simm.s32 @!p2 $0x0  }
0x1d: {  	s5 =	simm.s32 @p1 $0x1;
	p0 =	seq.s32 s7, s2  }
0x1e: {  	s7 =	smul.u32 @!p0 $0xF7A, s2;
	p2 =	seq.s32 @!p0 s5, $0x0  }
0x1f: {  	s9 =	smul.u32 $0xF7A, s1;
	s8 =	simm.s32 @!p0 $0x1BF5;
	p2 =	por !p2, p0  }
0x20: {  	[sflag:s8] =	ssyncset.s32 @!p0 $0xFFFFF086;
	s6 =	sadd.s32 @!p0 s3, s7;
	s7 =	simm.s32 @!p0 $0x108  }
0x21: {  	s3 =	sadd.s32 s3, s9;
	s6 =	sadd.s32 @!p0 $0x88, s6;
	s7 =	simm.s32 @p2 $0x1082  }
0x22: {  	[simem:s7], [sflag:s8] =	dma.local @!p0 [hbm:s6], $0xF7A  }
0x23: {  	s9 =	sor.u32 $0xD0000000, s2;
	s6 =	simm.s32 $0x108;
	_ =	swait.ge @!p0 [sflag:s8], $0x0  }
0x24: {  	s3 =	sadd.s32 $0x88, s3;
	s6 =	simm.s32 @!p1 $0x1082;
	[sflag:s4] =	ssyncset.s32 $0xFFFFF086  }
0x25: {  	[simem:s6], [sflag:s4] =	dma.local [hbm:s3], $0xF7A  }
0x26: {  	[smem:$0x3F8A] =	sst s1;
	(tag) =	ssettag s2;
	_ =	strace s9  }
0x27: {  	s1 =	sld [smem:$0x3F9A]  }
0x28: {  	s2 =	sld [smem:$0x3F9B]  }
0x29: {  	s4 =	sld [smem:$0x3F9D]  }
0x2a: {  	p0 =	seq.s32 s5, $0x0;
	s5 =	sld [smem:$0x3F9E]  }
0x2b: {  	s6 =	sld [smem:$0x3F9F]  }
0x2c: {  	s7 =	sld [smem:$0x3FA0]  }
0x2d: {  	s3 =	simm.s32 $0x108;
	s8 =	sld [smem:$0x3FA1]  }
0x2e: {  	s3 =	simm.s32 @!p0 $0x1082;
	s9 =	sld [smem:$0x3FA2]  }
0x2f: {  	lr =	sadd.s32 s0, s3;
	s0 =	sld [smem:$0x3F99]  }
0x30: {  	s3 =	sld [smem:$0x3F9C]  }
0x31: {  	[smem:$0x3FA5] =	sst s10  }
0x32: {  	s10 =	sld [smem:$0x3FA3];
	_ =	sdelay $0x3  }
0x33: {  	p0 =	seq.s32 s10, $0x1;
	s10 =	sld [smem:$0x3FA5];
	_ =	sdelay $0x3  }
0x34: {  	[smem:$0x3FA5] =	sst s10  }
0x35: {  	s10 =	sld [smem:$0x3FA4];
	_ =	sdelay $0x3  }
0x36: {  	p1 =	seq.s32 s10, $0x1;
	s10 =	sld [smem:$0x3FA5];
	_ =	sdelay $0x3  }
0x37: {  	[smem:$0x3FA5] =	sst s10  }
0x38: {  	s10 =	sld [smem:$0x3FA6]  }
0x39: {  	_ = 	snop;
	(pc) =	sbr.ind lr, $3  }
0x3a: {  	_ = 	snop  }
0x3b: {  	_ = 	snop  }
0x3c: {  	p2 =	seq.s32 s10, $0x1;
	s10 =	sld [smem:$0x3FA5]  }
0x3d: {  	_ =	shalt  }
0x3e: {  	_ =	shalt  }
0x3f: {  	_ =	shalt  }
0x40: {  	_ =	shalt  }
0x41: {  	_ =	shalt  }
0x42: {  	_ =	shalt  }
0x43: {  	_ =	shalt  }
0x44: {  	_ =	shalt  }
0x45: {  	_ =	shalt  }
0x46: {  	_ =	shalt  }
0x47: {  	_ =	shalt  }
0x48: {  	_ =	shalt  }
0x49: {  	_ =	shalt  }
0x4a: {  	_ =	shalt  }
0x4b: {  	_ =	shalt  }
0x4c: {  	_ =	shalt  }
0x4d: {  	_ =	shalt  }
0x4e: {  	_ =	shalt  }
0x4f: {  	_ =	shalt  }
0x50: {  	_ =	shalt  }
0x51: {  	_ =	shalt  }
0x52: {  	_ =	shalt  }
0x53: {  	_ =	shalt  }
0x54: {  	_ =	shalt  }
0x55: {  	_ =	shalt  }
0x56: {  	_ =	shalt  }
0x57: {  	_ =	shalt  }
0x58: {  	_ =	shalt  }
0x59: {  	_ =	shalt  }
0x5a: {  	_ =	shalt  }
0x5b: {  	_ =	shalt  }
0x5c: {  	_ =	shalt  }
0x5d: {  	_ =	shalt  }
0x5e: {  	_ =	shalt  }
0x5f: {  	_ =	shalt  }
0x60: {  	_ =	shalt  }
0x61: {  	_ =	shalt  }
0x62: {  	_ =	shalt  }
0x63: {  	_ =	shalt  }
0x64: {  	_ =	shalt  }
0x65: {  	_ =	shalt  }
0x66: {  	_ =	shalt  }
0x67: {  	_ =	shalt  }
0x68: {  	_ =	shalt  }
0x69: {  	_ =	shalt  }
0x6a: {  	_ =	shalt  }
0x6b: {  	_ =	shalt  }
0x6c: {  	_ =	shalt  }
0x6d: {  	_ =	shalt  }
0x6e: {  	_ =	shalt  }
0x6f: {  	_ =	shalt  }
0x70: {  	_ =	shalt  }
0x71: {  	_ =	shalt  }
0x72: {  	_ =	shalt  }
0x73: {  	_ =	shalt  }
0x74: {  	_ =	shalt  }
0x75: {  	_ =	shalt  }
0x76: {  	_ =	shalt  }
0x77: {  	_ =	shalt  }
0x78: {  	_ =	shalt  }
0x79: {  	_ =	shalt  }
0x7a: {  	_ =	shalt  }
0x7b: {  	_ =	shalt  }
0x7c: {  	_ =	shalt  }
0x7d: {  	_ =	shalt  }
0x7e: {  	_ =	shalt  }
0x7f: {  	_ =	shalt  }
0x80: {  	_ =	shalt  }
0x81: {  	_ =	shalt  }
0x82: {  	_ =	shalt  }
0x83: {  	_ =	shalt  }
0x84: {  	_ =	shalt  }
0x85: {  	_ =	shalt  }
0x86: {  	_ =	shalt  }
0x87: {  	_ =	shalt  }
.Lfunc_end0:
.L_simem_size_0:
called_computation.2_lowered:
.L_overlay_start_0:
0x88: {  	s2 =	sld [smem:$0x3FD9]  }
0x89: {  	s3 =	sld [smem:$0x3FFE];
	_ =	sdelay $0x1  }
0x8a: {  	s1 =	srdreg.scid  }
0x8b: {  	s0 =	sand.u32 $0x1, s1  }
0x8c: {  	s17 =	sshll.u32 s0, $0xA;
	s2 =	sadd.s32 s3, s2  }
0x8d: {  	s2 =	sadd.s32 s2, s17  }
0x8e: {  	[smem:$0x3FB1] =	sst s2  }
0x8f: {  	_ = 	snop  }
0x90: {  	s2 =	sld [smem:$0x3FC7];
	(tm) =	ssettm $0x1  }
0x91: {  	s18 =	sld [smem:$0x3FFB];
	_ =	sdelay $0x3  }
0x92: {  	_ =	strace s18  }
0x93: {  	s3 =	sld [smem:$0x3FFC];
	_ =	sdelay $0x3  }
0x94: {  	_ =	strace s3  }
0x95: {  	s3 =	sld [smem:$0x3FFD];
	_ =	sdelay $0x3  }
0x96: {  	_ =	strace s3  }
0x97: {  	_ =	strace $0x8FFFFFFF  }
0x98: {  	s19 =	sld [smem:$0x3FDB];
	_ =	sdelay $0x1  }
0x99: {  	s4 =	simm.s32 $_scs_section_size  }
0x9a: {  	s5 =	simm.s32 $_size__tile_overlayer_lowered;
	s6 =	simm.s32 $_tile_overlayer_lowered  }
0x9b: {  	s22 =	simm.s32 $0x1BFF;
	s21 =	sshll.u32 s6, $0x1;
	s3 =	sadd.s32 s4, s19  }
0x9c: {  	s7 =	simm.s32 $0x0;
	s20 =	sshll.u32 s5, $0x1;
	s5 =	sadd.s32 s21, s3  }
0x9d: {  	[timem:s7], [sflag:s22] =	dma.local [hbm:s5], s20  }
0x9e: {  	_ =	swait.ge [sflag:s22], s20  }
0x9f: {  	s4 =	ssub.s32 $0x0, s20;
	[sflag:s22] =	ssyncset.done $0x0  }
0xa0: {  	[sflag:s22] =	ssyncadd.s32 s4;
	_ =	sdelay $0x1  }
0xa1: {  	s23 =	simm.s32 $0x1B8B  }
0xa2: {  	_ =	swait.ge [sflag:s23], $0x1  }
0xa3: {  	[sflag:s23] =	ssyncset.done $0x0  }
0xa4: {  	s25 =	simm.s32 $0x1B8E;
	s24 =	sld [smem:$0x3FFE];
	[sflag:s23] =	ssyncadd.s32 $0xFFFFFFFF  }
0xa5: {  	s26 =	simm.s32 $execute0_lowered;
	[smem:$0x3FD2] =	sst s25  }
0xa6: {  	s5 =	sshll.u32 s26, $0x1;
	_ =	strace $0x80000046;
	[dreg:$0x1] =	wrdreg $0xFFFFFFFF  }
0xa7: {  	s28 =	simm.s32 $_size_execute0_lowered;
	s3 =	sadd.s32 s3, s5;
	[dreg:$0x0] =	wrdreg $0x0  }
0xa8: {  	s5 =	sshll.u32 s28, $0x1;
	[dreg:$0x2] =	wrdreg s3  }
0xa9: {  	[dreg:$0x3] =	wrdreg s5  }
0xaa: {  	[dreg:$0x4] =	wrdreg $0xC0  }
0xab: {  	_ =	task [dreg:s7], $0x5FFFF  }
0xac: {  	[dreg:$0x1] =	wrdreg $0xFFFFFFFF  }
0xad: {  	[dreg:$0x0] =	wrdreg $0x60  }
0xae: {  	[dreg:$0x2] =	wrdreg s2  }
0xaf: {  	[dreg:$0x3] =	wrdreg s24  }
0xb0: {  	[dreg:$0x4] =	wrdreg $0x9  }
0xb1: {  	_ =	task.clear_ibuf [dreg:s7], $0x5FFFF;
	_ =	strace $0x90000046  }
0xb2: {  	s29 =	simm.s32 $0x9;
	_ =	strace $0x80000048  }
0xb3: {  	_ =	swait.ge [sflag:s29], $0x1  }
0xb4: {  	[sflag:s29] =	ssyncadd.s32 $0xFFFFFFFF  }
0xb5: {  	_ =	strace $0x90000048  }
0xb6: {  	_ =	sfence  }
0xb7: {  	s30 =	sld [smem:$0x0];
	_ =	sdelay $0x2  }
0xb8: {  	s31 =	sshll.u32 s1, $0xD;
	s1 =	sshrl.u32 s1, $0x2  }
0xb9: {  	s3 =	sand.u32 $0x4000, s31;
	s1 =	sadd.s32 s1, s30  }
0xba: {  	s0 =	sor.u32 s3, s0;
	s1 =	sshll.u32 s1, $0x11  }
0xbb: {  	s0 =	sor.u32 s1, s0  }
0xbc: {  	s0 =	sadd.s32 $0x8F2B, s0  }
0xbd: {  	[sflag:s0] =	ssyncadd.remote.s32 $0x1  }
0xbe: {  	_ =	sfence.sel $0xFFFF  }
0xbf: {  	[dreg:$0x0] =	wrdreg $0xFFFFFFFF;
	(pc) =	sbr.abs _section_cstart, $3  }
0xc0: {  	[dreg:$0x1] =	wrdreg $0xFFFFFFFF  }
0xc1: {  	_ =	task.clear_ibuf [dreg:s7], $0x2FFFF;
	_ =	strace $0x9FFFFFFF  }
0xc2: {  	(tm) =	ssettm $0x7FFFFFFF  }
0xc3: {  	_ =	shalt  }
tec
execute0_lowered:
.L_overlay_start_1:
0x0: {  	(tag) =	ssettag $0x1  }
0x1: {  	s2 =	rddreg [dreg:$0x0]  }
0x2: {  	s3 =	rddreg [dreg:$0x1]  }
0x3: {  	s0 =	rddreg [dreg:$0x2];
	s1 =	srdreg.scid;
	_ =	strace $0x80000047  }
0x4: {  	s4 =	simm.s32 $0x1;
	s9 =	simm.s32 $0x3;
	s5 =	sshll.u32 s1, $0x4  }
.Ltmp0:
0x5: {  	s1 =	stileid.u32;
	s5 =	sand.u32 $0x10, s5;
	(pc) =	sbr.rel .LBB2_1-.Ltmp0, $4  }
0x6: {  	s12 =	simm.s32 $0x0;
	s10 =	simm.s32 $0x0;
	s6 =	sor.u32 s1, s5  }
0x7: {  	[sflag:s4] =	ssyncpa.u1 $0x0;
	s5 =	simm.s32 $0x2;
	s6 =	sshll.u32 s6, $0x6  }
0x8: {  	s7 =	sadd.s32 $0x200, s3;
	[sflag:s5] =	ssyncpa.u1 $0x0;
	s8 =	sadd.s32 $0x40, s6  }
0x9: {  	vm0 =	vmmov $0xff;
	vm1 =	vcmask $0x3F20;
	[sflag:s9] =	ssyncpa.u1 $0x0;
	s9 =	simm.s32 $0x40;
	s11 =	smov.u32 s6  }
.LBB2_11:
0xa: {  	p0 =	seq.s32 s10, $0x2  }
.Ltmp1:
0xb: {  	_ = 	snop;
	(pc) =	sbr.rel @p0 .LBB2_13-.Ltmp1, $1  }
0xc: {  	_ =	sdelay $0x3  }
.LBB2_12:
0xd: {  	s12 =	sadd.s32 $0x40, s11  }
0xe: {  	s13 =	smov.u32 s6;
	p0 =	slt.s32 s12, s8  }
0xf: {  	s13 =	smov.u32 @p0 s12  }
0x10: {  	s10 =	sadd.s32 $0x1, s10;
	s12 =	smov.u32 s11;
	s11 =	smov.u32 s13  }
.LBB2_1:
0x11: {  	p0 =	sne.s32 s10, $0x0  }
.Ltmp2:
0x12: {  	_ = 	snop;
	(pc) =	sbr.rel @!p0 .LBB2_2-.Ltmp2, $1  }
0x13: {  	_ =	sdelay $0x3  }
0x14: {  	s13 =	sand.u32 $0x1, s10  }
0x15: {  	p0 =	seq.s32 s13, $0x0  }
.Ltmp3:
0x16: {  	_ = 	snop;
	(pc) =	sbr.rel @p0 .LBB2_11-.Ltmp3, $1  }
0x17: {  	_ =	sdelay $0x3  }
0x18: {  	_ =	swait.ge [sflag:s5], $0x40  }
0x19: {  	[sflag:s5] =	ssyncset.done $0x0  }
0x1a: {  	s13 =	simm.s32 $0x0;
	s14 =	simm.s32 $0x80;
	[sflag:s5] =	ssyncadd.s32 $0xFFFFFFC0  }
.LBB2_5:
0x1b: {  	s15 =	sshll.u32 s13, $0x4  }
0x1c: {  	s15 =	sand.u32 $0x3FFFFFF0, s15  }
0x1d: {  	v0 =	vld.msk [tilespmem:s15+$0x40 ss:$0x1], $0xffff;
	_ =	sdelay $0x4  }
0x1e: {  	vm2 =	vgt.s32 v0, $0x0  }
0x1f: {  	v0 =	vnsel vm2, $0x0, v0  }
0x20: {  	v0 =	vmin.u32 v0, $0x7CFF  }
0x21: {  	v1 =	vshrl.u32 v0, $0x3  }
0x22: {  	v0 =	vshll.u32 v0, $0x7;
	v1 =	vmul.u32 $0x1800, v1  }
0x23: {  	v0 =	vand.u32 $0x380, v0  }
0x24: {  	v0 =	vor.u32 v0, v1  }
0x25: {  	v0 =	vshrl.u32 v0, $0x3;
	_ =	sdelay $0x2  }
0x26: {  	s16 =	sadd.s32 $0xFFFFE800, s14  }
0x27: {  	s31 =	sadd.s32 $0xD800, s16;
	s16 =	sadd.s32 $0xF000, s16;
	s15 =	simm.s32 $0xFFFFB000  }
0x28: {  	v1 =	vadd.s32 $0x80, v0;
	[tilespmem:s31], [sflag:$0x1] =	stream.indirect_vreg.gather [hbm:s2], $0x80, v0, vm0, $0x38;
	[tilespmem:$0x18080] =	vst v63  }
.LBB2_6:
0x29: {  	[tilespmem:s16], [sflag:$0x1] =	stream.indirect_vreg.gather [hbm:s2], $0x80, v0, vm1, $0x38;
	[tilespmem:$0x18080] =	vst v63  }
0x2a: {  	v0 =	vmov v1;
	p0 =	sne.s32 s15, $0xFFFFF000  }
.Ltmp4:
0x2b: {  	s16 =	sshra.s32 s15, $0x2;
	(pc) =	sbr.rel @p0 .LBB2_6-.Ltmp4, $4  }
0x2c: {  	s15 =	sadd.s32 $0x1000, s15;
	s16 =	sadd.s32 s16, s14  }
0x2d: {  	s17 =	sadd.s32 $0xD800, s16  }
0x2e: {  	[tilespmem:s17], [sflag:$0x1] =	stream.indirect_vreg.gather [hbm:s2], $0x80, v1, vm0, $0x38;
	[tilespmem:$0x18080] =	vst v63  }
0x2f: {  	s16 =	sadd.s32 $0xF000, s16;
	v1 =	vadd.s32 $0x80, v1  }
0x30: {  	s13 =	sadd.s32 $0x1, s13  }
0x31: {  	p0 =	sne.s32 s13, $0x4  }
.Ltmp5:
0x32: {  	_ = 	snop;
	(pc) =	sbr.rel @p0 .LBB2_5-.Ltmp5, $3  }
0x33: {  	_ =	sdelay $0x1  }
0x34: {  	[tilespmem:s16], [sflag:$0x1] =	stream.indirect_vreg.gather [hbm:s2], $0x80, v0, vm1, $0x38;
	[tilespmem:$0x18080] =	vst v63  }
0x35: {  	s14 =	sadd.s32 $0x3000, s14  }
0x36: {  	s13 =	sshrl.u32 s12, $0x3  }
0x37: {  	s13 =	smul.u32 $0x300, s13  }
0x38: {  	_ =	swait.ge [sflag:s4], $0xC000;
	s31 =	sshll.u32 s12, $0x4  }
0x39: {  	s14 =	simm.s32 $0x300;
	s12 =	sand.u32 $0x70, s31;
	s13 =	sadd.s32 s13, s7  }
0x3a: {  	s15 =	simm.s32 $0xD880;
	[sflag:s4] =	ssyncset.done $0x0;
	s12 =	sadd.s32 s12, s13  }
0x3b: {  	[sflag:s4] =	ssyncadd.s32 $0xFFFF4000;
	s13 =	simm.s32 $0xC080;
	s16 =	sadd.s32 $0x0, s12  }
.LBB2_9:
0x3c: {  	[hbm:s16] =	stream.linear.scatter [tilespmem:s13], [sflag:$0x3], $0x1800, $0x38;
	[tilespmem:$0x18080] =	vst v63  }
0x3d: {  	s16 =	smov.u32 s14;
	s13 =	smov.u32 s15;
	p0 =	sne.s32 s14, $0x1500  }
.Ltmp6:
0x3e: {  	s14 =	sadd.s32 $0x300, s14;
	(pc) =	sbr.rel @p0 .LBB2_9-.Ltmp6, $2  }
0x3f: {  	_ =	sdelay $0x2  }
0x40: {  	s15 =	sadd.s32 $0x1800, s15;
	s16 =	sadd.s32 s16, s12  }
.Ltmp7:
0x41: {  	(pc) =	sbr.rel .LBB2_11-.Ltmp7, $2  }
0x42: {  	_ =	sdelay $0x2  }
0x43: {  	[hbm:s16] =	stream.linear.scatter [tilespmem:s13], [sflag:$0x3], $0x1800, $0x38;
	[tilespmem:$0x18080] =	vst v63  }
.LBB2_2:
.Ltmp8:
0x44: {  	(pc) =	sbr.rel .LBB2_12-.Ltmp8, $4  }
0x45: {  	_ = 	snop  }
0x46: {  	s12 =	sshrl.u32 s11, $0x3  }
0x47: {  	s13 =	sand.u32 $0x7, s11;
	s12 =	sadd.s32 s3, s12  }
0x48: {  	[tilespmem:s9], [sflag:$0x2] =	stream.linear.gather [hbm4b:s12+s13], $0x40, $0x38;
	[tilespmem:$0x18080] =	vst v63  }
.LBB2_13:
0x49: {  	s2 =	simm.s32 $0x3  }
0x4a: {  	_ =	swait.ge [sflag:s2], $0xC000  }
0x4b: {  	[sflag:s2] =	ssyncset.done $0x0  }
0x4c: {  	[sflag:s2] =	ssyncadd.s32 $0xFFFF4000  }
0x4d: {  	_ =	sfence.sel $0x180000  }
0x4e: {  	s3 =	simm.s32 $0x2;
	[bflag:$0x0] =	sbarrier.arrive $0xFFFF  }
0x4f: {  	[sflag:s3] =	ssyncpa.u1 $0x1  }
0x50: {  	s31 =	simm.s32 $0x1;
	[sflag:s2] =	ssyncpa.u1 $0x1  }
0x51: {  	[sflag:s31] =	ssyncpa.u1 $0x1  }
0x52: {  	p0 =	sne.s32 s1, $0x0;
	_ =	strace $0x90000047  }
0x53: {  	s0 =	sadd.s32 @!p0 $0x100000, s0;
	[bflag:$0x2] =	sbarrier.arrive $0xFFFF  }
0x54: {  	[sflag:s0] =	ssyncadd.tile.s32 @!p0 $0x1;
	_ =	shalt  }
.Lfunc_end2:
_tile_overlayer_lowered:
.L_overlay_start_2:
0x55: {  	(tag) =	ssettag $0x2  }
0x56: {  	s0 =	rddreg [dreg:$0x0];
	s2 =	stileid.u32  }
0x57: {  	s1 =	rddreg [dreg:$0x1];
	p0 =	sne.s32 s2, $0x0  }
0x58: {  	s3 =	rddreg [dreg:$0x2];
	[bflag:$0x3] =	sbarrier.arrive $0xFFFF;
	s2 =	simm.s32 @!p0 $0x1C01  }
0x59: {  	[timem:s3], [sflag:s2] =	dma.local @!p0 [hbm:s0], s1  }
0x5a: {  	s0 =	simm.s32 @!p0 $0x1  }
0x5b: {  	_ =	swait.ge @!p0 [sflag:s0], s1  }
0x5c: {  	s1 =	ssub.s32 @!p0 $0x0, s1;
	[sflag:s0] =	ssyncset.done @!p0 $0x0  }
0x5d: {  	[sflag:s0] =	ssyncadd.s32 @!p0 s1  }
0x5e: {  	[bflag:$0x3] =	sbarrier.arrive $0xFFFF  }
0x5f: {  	_ =	shalt  }

// kernel: scatter_offload_async_start.1
scs
__scs_entry_jumppad:
0x0: {  	(pc) =	sbr.rel $0x88, $3  }
0x1: {  	(tag) =	ssettag $0x0;
	lr =	simm.s32 $0x1  }
0x2: {  	[smem:$0x3F8A] =	sst lr;
	_ =	strace $0xD0000000  }
0x3: {  	_ = 	snop  }
0x4: {  	_ = 	snop  }
0x5: {  	_ = 	snop  }
0x6: {  	_ = 	snop  }
0x7: {  	_ = 	snop  }
__scs_overlays_trampoline_lowered:
0x8: {  	[smem:$0x3F99] =	sst s0  }
0x9: {  	[smem:$0x3F9A] =	sst s1  }
0xa: {  	[smem:$0x3F9B] =	sst s2  }
0xb: {  	[smem:$0x3F9C] =	sst s3  }
0xc: {  	[smem:$0x3F9D] =	sst s4  }
0xd: {  	[smem:$0x3F9E] =	sst s5  }
0xe: {  	[smem:$0x3F9F] =	sst s6  }
0xf: {  	[smem:$0x3FA0] =	sst s7  }
0x10: {  	[smem:$0x3FA1] =	sst s8  }
0x11: {  	[smem:$0x3FA2] =	sst s9;
	s0 =	simm.s32 @!p0 $0x0  }
0x12: {  	s1 =	sld [smem:$0x3F88];
	s0 =	simm.s32 @p0 $0x1  }
0x13: {  	[smem:$0x3FA3] =	sst s0;
	s0 =	simm.s32 @!p1 $0x0  }
0x14: {  	s2 =	sld [smem:$0x3F87];
	s0 =	simm.s32 @p1 $0x1  }
0x15: {  	[smem:$0x3FA4] =	sst s0;
	s0 =	simm.s32 @!p2 $0x0  }
0x16: {  	s3 =	sld [smem:$0x3FDB];
	s0 =	simm.s32 @p2 $0x1  }
0x17: {  	s4 =	simm.s32 $0x1BF5;
	[smem:$0x3FA6] =	sst s0  }
0x18: {  	s0 =	sld [smem:$0x3F89];
	_ =	swait.ge [sflag:s4], $0x0  }
0x19: {  	s7 =	sld [smem:$0x3F8A]  }
0x1a: {  	s8 =	sadd.s32 $0xFFFFE003, lr  }
0x1b: {  	s9 =	sadd.s32 $0xFFFFFEF7, lr;
	s5 =	simm.s32 $0xFFFFFFFF;
	p2 =	slt.u32 s8, $0xFFFFF086  }
0x1c: {  	p1 =	slt.u32 s9, $0xF7A;
	s5 =	simm.s32 @!p2 $0x0  }
0x1d: {  	s5 =	simm.s32 @p1 $0x1;
	p0 =	seq.s32 s7, s2  }
0x1e: {  	s7 =	smul.u32 @!p0 $0xF7A, s2;
	p2 =	seq.s32 @!p0 s5, $0x0  }
0x1f: {  	s9 =	smul.u32 $0xF7A, s1;
	s8 =	simm.s32 @!p0 $0x1BF5;
	p2 =	por !p2, p0  }
0x20: {  	[sflag:s8] =	ssyncset.s32 @!p0 $0xFFFFF086;
	s6 =	sadd.s32 @!p0 s3, s7;
	s7 =	simm.s32 @!p0 $0x108  }
0x21: {  	s3 =	sadd.s32 s3, s9;
	s6 =	sadd.s32 @!p0 $0x88, s6;
	s7 =	simm.s32 @p2 $0x1082  }
0x22: {  	[simem:s7], [sflag:s8] =	dma.local @!p0 [hbm:s6], $0xF7A  }
0x23: {  	s9 =	sor.u32 $0xD0000000, s2;
	s6 =	simm.s32 $0x108;
	_ =	swait.ge @!p0 [sflag:s8], $0x0  }
0x24: {  	s3 =	sadd.s32 $0x88, s3;
	s6 =	simm.s32 @!p1 $0x1082;
	[sflag:s4] =	ssyncset.s32 $0xFFFFF086  }
0x25: {  	[simem:s6], [sflag:s4] =	dma.local [hbm:s3], $0xF7A  }
0x26: {  	[smem:$0x3F8A] =	sst s1;
	(tag) =	ssettag s2;
	_ =	strace s9  }
0x27: {  	s1 =	sld [smem:$0x3F9A]  }
0x28: {  	s2 =	sld [smem:$0x3F9B]  }
0x29: {  	s4 =	sld [smem:$0x3F9D]  }
0x2a: {  	p0 =	seq.s32 s5, $0x0;
	s5 =	sld [smem:$0x3F9E]  }
0x2b: {  	s6 =	sld [smem:$0x3F9F]  }
0x2c: {  	s7 =	sld [smem:$0x3FA0]  }
0x2d: {  	s3 =	simm.s32 $0x108;
	s8 =	sld [smem:$0x3FA1]  }
0x2e: {  	s3 =	simm.s32 @!p0 $0x1082;
	s9 =	sld [smem:$0x3FA2]  }
0x2f: {  	lr =	sadd.s32 s0, s3;
	s0 =	sld [smem:$0x3F99]  }
0x30: {  	s3 =	sld [smem:$0x3F9C]  }
0x31: {  	[smem:$0x3FA5] =	sst s10  }
0x32: {  	s10 =	sld [smem:$0x3FA3];
	_ =	sdelay $0x3  }
0x33: {  	p0 =	seq.s32 s10, $0x1;
	s10 =	sld [smem:$0x3FA5];
	_ =	sdelay $0x3  }
0x34: {  	[smem:$0x3FA5] =	sst s10  }
0x35: {  	s10 =	sld [smem:$0x3FA4];
	_ =	sdelay $0x3  }
0x36: {  	p1 =	seq.s32 s10, $0x1;
	s10 =	sld [smem:$0x3FA5];
	_ =	sdelay $0x3  }
0x37: {  	[smem:$0x3FA5] =	sst s10  }
0x38: {  	s10 =	sld [smem:$0x3FA6]  }
0x39: {  	_ = 	snop;
	(pc) =	sbr.ind lr, $3  }
0x3a: {  	_ = 	snop  }
0x3b: {  	_ = 	snop  }
0x3c: {  	p2 =	seq.s32 s10, $0x1;
	s10 =	sld [smem:$0x3FA5]  }
0x3d: {  	_ =	shalt  }
0x3e: {  	_ =	shalt  }
0x3f: {  	_ =	shalt  }
0x40: {  	_ =	shalt  }
0x41: {  	_ =	shalt  }
0x42: {  	_ =	shalt  }
0x43: {  	_ =	shalt  }
0x44: {  	_ =	shalt  }
0x45: {  	_ =	shalt  }
0x46: {  	_ =	shalt  }
0x47: {  	_ =	shalt  }
0x48: {  	_ =	shalt  }
0x49: {  	_ =	shalt  }
0x4a: {  	_ =	shalt  }
0x4b: {  	_ =	shalt  }
0x4c: {  	_ =	shalt  }
0x4d: {  	_ =	shalt  }
0x4e: {  	_ =	shalt  }
0x4f: {  	_ =	shalt  }
0x50: {  	_ =	shalt  }
0x51: {  	_ =	shalt  }
0x52: {  	_ =	shalt  }
0x53: {  	_ =	shalt  }
0x54: {  	_ =	shalt  }
0x55: {  	_ =	shalt  }
0x56: {  	_ =	shalt  }
0x57: {  	_ =	shalt  }
0x58: {  	_ =	shalt  }
0x59: {  	_ =	shalt  }
0x5a: {  	_ =	shalt  }
0x5b: {  	_ =	shalt  }
0x5c: {  	_ =	shalt  }
0x5d: {  	_ =	shalt  }
0x5e: {  	_ =	shalt  }
0x5f: {  	_ =	shalt  }
0x60: {  	_ =	shalt  }
0x61: {  	_ =	shalt  }
0x62: {  	_ =	shalt  }
0x63: {  	_ =	shalt  }
0x64: {  	_ =	shalt  }
0x65: {  	_ =	shalt  }
0x66: {  	_ =	shalt  }
0x67: {  	_ =	shalt  }
0x68: {  	_ =	shalt  }
0x69: {  	_ =	shalt  }
0x6a: {  	_ =	shalt  }
0x6b: {  	_ =	shalt  }
0x6c: {  	_ =	shalt  }
0x6d: {  	_ =	shalt  }
0x6e: {  	_ =	shalt  }
0x6f: {  	_ =	shalt  }
0x70: {  	_ =	shalt  }
0x71: {  	_ =	shalt  }
0x72: {  	_ =	shalt  }
0x73: {  	_ =	shalt  }
0x74: {  	_ =	shalt  }
0x75: {  	_ =	shalt  }
0x76: {  	_ =	shalt  }
0x77: {  	_ =	shalt  }
0x78: {  	_ =	shalt  }
0x79: {  	_ =	shalt  }
0x7a: {  	_ =	shalt  }
0x7b: {  	_ =	shalt  }
0x7c: {  	_ =	shalt  }
0x7d: {  	_ =	shalt  }
0x7e: {  	_ =	shalt  }
0x7f: {  	_ =	shalt  }
0x80: {  	_ =	shalt  }
0x81: {  	_ =	shalt  }
0x82: {  	_ =	shalt  }
0x83: {  	_ =	shalt  }
0x84: {  	_ =	shalt  }
0x85: {  	_ =	shalt  }
0x86: {  	_ =	shalt  }
0x87: {  	_ =	shalt  }
.Lfunc_end0:
.L_simem_size_0:
called_computation.1_lowered:
.L_overlay_start_0:
0x88: {  	s0 =	sld [smem:$0x3FD9]  }
0x89: {  	s1 =	sld [smem:$0x3FFE];
	_ =	sdelay $0x3  }
0x8a: {  	s0 =	sadd.s32 s1, s0  }
0x8b: {  	[smem:$0x3FB1] =	sst s0  }
0x8c: {  	_ = 	snop  }
0x8d: {  	(tm) =	ssettm $0x1  }
0x8e: {  	s15 =	sld [smem:$0x3FFB];
	_ =	sdelay $0x3  }
0x8f: {  	_ =	strace s15  }
0x90: {  	s0 =	sld [smem:$0x3FFC];
	_ =	sdelay $0x3  }
0x91: {  	_ =	strace s0  }
0x92: {  	s0 =	sld [smem:$0x3FFD];
	_ =	sdelay $0x3  }
0x93: {  	_ =	strace s0  }
0x94: {  	_ =	strace $0x8FFFFFFF  }
0x95: {  	s16 =	sld [smem:$0x3FDB];
	_ =	sdelay $0x1  }
0x96: {  	s17 =	simm.s32 $_scs_section_size  }
0x97: {  	s2 =	simm.s32 $_size__tile_overlayer_lowered;
	s3 =	simm.s32 $_tile_overlayer_lowered  }
0x98: {  	s20 =	simm.s32 $0x1BFF;
	s19 =	sshll.u32 s3, $0x1;
	s0 =	sadd.s32 s17, s16  }
0x99: {  	s4 =	simm.s32 $0x0;
	s18 =	sshll.u32 s2, $0x1;
	s2 =	sadd.s32 s19, s0  }
0x9a: {  	[timem:s4], [sflag:s20] =	dma.local [hbm:s2], s18  }
0x9b: {  	_ =	swait.ge [sflag:s20], s18  }
0x9c: {  	s1 =	ssub.s32 $0x0, s18;
	[sflag:s20] =	ssyncset.done $0x0  }
0x9d: {  	[sflag:s20] =	ssyncadd.s32 s1;
	_ =	sdelay $0x1  }
0x9e: {  	s21 =	simm.s32 $0x1B8B  }
0x9f: {  	_ =	swait.ge [sflag:s21], $0x1  }
0xa0: {  	[sflag:s21] =	ssyncset.done $0x0  }
0xa1: {  	s23 =	simm.s32 $0x1B8E;
	s22 =	sld [smem:$0x3FFE];
	[sflag:s21] =	ssyncadd.s32 $0xFFFFFFFF  }
0xa2: {  	s24 =	simm.s32 $execute0_lowered;
	[smem:$0x3FD2] =	sst s23  }
0xa3: {  	s2 =	sshll.u32 s24, $0x1;
	_ =	strace $0x80000052;
	[dreg:$0x1] =	wrdreg $0xFFFFFFFF  }
0xa4: {  	s25 =	simm.s32 $_size_execute0_lowered;
	s0 =	sadd.s32 s0, s2;
	[dreg:$0x0] =	wrdreg $0x0  }
0xa5: {  	s2 =	sshll.u32 s25, $0x1;
	[dreg:$0x2] =	wrdreg s0  }
0xa6: {  	[dreg:$0x3] =	wrdreg s2  }
0xa7: {  	[dreg:$0x4] =	wrdreg $0xC0  }
0xa8: {  	_ =	task [dreg:s4], $0x5FFFF  }
0xa9: {  	[dreg:$0x1] =	wrdreg $0xFFFFFFFF  }
0xaa: {  	[dreg:$0x0] =	wrdreg $0x60  }
0xab: {  	[dreg:$0x2] =	wrdreg s22  }
0xac: {  	[dreg:$0x3] =	wrdreg $0x9  }
0xad: {  	_ =	task.clear_ibuf [dreg:s4], $0x4FFFF;
	_ =	strace $0x90000052  }
0xae: {  	s26 =	simm.s32 $0x9;
	_ =	strace $0x80000054  }
0xaf: {  	_ =	swait.ge [sflag:s26], $0x1  }
0xb0: {  	[sflag:s26] =	ssyncadd.s32 $0xFFFFFFFF  }
0xb1: {  	_ =	strace $0x90000054  }
0xb2: {  	_ =	sfence  }
0xb3: {  	s28 =	sld [smem:$0x0];
	_ =	sdelay $0x1  }
0xb4: {  	s29 =	srdreg.scid  }
0xb5: {  	s30 =	sshll.u32 s29, $0xD;
	s31 =	sshrl.u32 s29, $0x2  }
0xb6: {  	s1 =	sand.u32 $0x1, s29;
	s2 =	sand.u32 $0x4000, s30;
	s0 =	sadd.s32 s31, s28  }
0xb7: {  	s1 =	sor.u32 s2, s1;
	s0 =	sshll.u32 s0, $0x11  }
0xb8: {  	s0 =	sor.u32 s0, s1  }
0xb9: {  	s0 =	sadd.s32 $0x8F2B, s0  }
0xba: {  	[sflag:s0] =	ssyncadd.remote.s32 $0x1  }
0xbb: {  	_ =	sfence.sel $0xFFFF  }
0xbc: {  	[dreg:$0x0] =	wrdreg $0xFFFFFFFF;
	(pc) =	sbr.abs _section_cstart, $3  }
0xbd: {  	[dreg:$0x1] =	wrdreg $0xFFFFFFFF  }
0xbe: {  	_ =	task.clear_ibuf [dreg:s4], $0x2FFFF;
	_ =	strace $0x9FFFFFFF  }
0xbf: {  	(tm) =	ssettm $0x7FFFFFFF  }
tec
execute0_lowered:
.L_overlay_start_1:
0x0: {  	(tag) =	ssettag $0x1  }
0x1: {  	s0 =	rddreg [dreg:$0x0];
	_ =	strace $0x80000053;
	s3 =	simm.s32 $0x1  }
0x2: {  	v1 =	vimm.s32 $0xFFFFFFFF;
	[sflag:s3] =	ssyncpa.u1 $0x0  }
0x3: {  	[tilespmem:$0x10] =	vst v1  }
0x4: {  	v0 =	vimm.f32 $0.0e+00;
	[tilespmem:$0x20] =	vst v1  }
0x5: {  	[tilespmem:$0x30] =	vst v0  }
0x6: {  	s2 =	simm.s32 $0x2;
	s6 =	simm.s32 $0x7;
	s26 =	stileid.u32;
	[tilespmem:$0x40] =	vst v0  }
0x7: {  	s7 =	simm.s32 $0x8;
	s31 =	simm.s32 $0x9;
	s14 =	simm.s32 $0x0;
	[tilespmem:$0x50] =	vst v0  }
0x8: {  	s15 =	simm.s32 $0x100;
	s18 =	simm.s32 $0x10;
	s19 =	simm.s32 $0xA00;
	[tilespmem:$0x60] =	vst v1  }
0x9: {  	s20 =	simm.s32 $0xF;
	s21 =	simm.s32 $0x50;
	s22 =	simm.s32 $0x4FF;
	[tilespmem:$0x70] =	vst v1  }
0xa: {  	s23 =	simm.s32 $0x20;
	s24 =	simm.s32 $0x30;
	s25 =	simm.s32 $0x8FF;
	[tilespmem:$0x80] =	vst v1  }
0xb: {  	s30 =	simm.s32 $0x0;
	s29 =	simm.s32 $0x0;
	s1 =	sadd.s32 $0x430600, s0;
	v1 =	vimm.s32 $0x0;
	[tilespmem:$0xB0] =	vst v0  }
.Ltmp0:
0xc: {  	s4 =	sadd.s32 $0x30000, s0;
	s5 =	sadd.s32 $0x30200, s0;
	[tilespmem:$0x90] =	vst v1;
	(pc) =	sbr.rel .LBB2_1-.Ltmp0, $4  }
0xd: {  	s8 =	sshll.u32 s26, $0x8;
	s10 =	sshll.u32 s26, $0x1;
	[tilespmem:$0xA0] =	vst v1;
	[sflag:s2] =	ssyncpa.u1 $0x0  }
0xe: {  	s12 =	sshllo.u32 s26, $0x1;
	s26 =	simm.s32 $0x80;
	[sflag:s6] =	ssyncpa.u1 $0x0  }
0xf: {  	vm0 =	vmmov $0xffff;
	v2 =	vlaneseq.u32;
	s9 =	sadd.s32 $0x100, s8;
	s11 =	sor.u32 $0x81, s10;
	[sflag:s7] =	ssyncpa.u1 $0x0  }
0x10: {  	vm1 =	vmxor vm1, vm1;
	vm2 =	vmmov $0x1;
	vm3 =	vcmask $0x3F3C;
	s13 =	sor.u32 $0x80, s10;
	s28 =	smov.u32 s8;
	[sflag:s31] =	ssyncpa.u1 $0x0  }
.LBB2_3:
0x11: {  	s0 =	sshrl.u32 s28, $0x3  }
0x12: {  	s2 =	sand.u32 $0x7, s28;
	s0 =	sadd.s32 s4, s0  }
0x13: {  	[tilespmem:s15], [sflag:$0x7] =	stream.linear.gather [hbm4b:s0+s2], $0x100, $0x38;
	[tilespmem:$0xA20] =	vst v63  }
.LBB2_4:
0x14: {  	s0 =	sadd.s32 $0x100, s28  }
0x15: {  	s2 =	smov.u32 s8;
	s29 =	sadd.s32 $0x1, s29;
	p0 =	slt.s32 s0, s9  }
0x16: {  	s2 =	smov.u32 @p0 s0;
	p0 =	sne.s32 s29, $0x4  }
.Ltmp1:
0x17: {  	_ = 	snop;
	(pc) =	sbr.rel @!p0 .LBB2_13-.Ltmp1, $2  }
0x18: {  	_ =	sdelay $0x2  }
0x19: {  	s30 =	smov.u32 s28;
	s28 =	smov.u32 s2  }
.LBB2_1:
0x1a: {  	p0 =	sgt.s32 s29, $0x1  }
.Ltmp2:
0x1b: {  	_ = 	snop;
	(pc) =	sbr.rel @p0 .LBB2_11-.Ltmp2, $1  }
0x1c: {  	_ =	sdelay $0x3  }
0x1d: {  	p0 =	seq.s32 s29, $0x0  }
.Ltmp3:
0x1e: {  	_ = 	snop;
	(pc) =	sbr.rel @p0 .LBB2_3-.Ltmp3, $1  }
0x1f: {  	_ =	sdelay $0x3  }
0x20: {  	_ =	swait.ge [sflag:s6], $0x100  }
0x21: {  	[sflag:s6] =	ssyncset.done $0x0  }
0x22: {  	[sflag:s6] =	ssyncadd.s32 $0xFFFFFF00;
	(ifvalue) =	ssetifvalue $0xFFFFFFFF;
	v3 =	vld.msk [tilespmem:s15+$0x0 ss:$0x1], $0xffff;
	_ =	sdelay $0x4  }
0x23: {  	v4 =	vperm.xlane v3, v1  }
0x24: {  	vm4 =	vlt.u32 v3, $0x4000  }
0x25: {  	v3 =	vnsel vm4, $0xFFFFFFFE, v3;
	vm4 =	vlt.u32 v4, $0x4000  }
0x26: {  	[tilespmem:$0x70] =	vst v3;
	v3 =	vnsel vm4, $0xFFFFFFFE, v4  }
0x27: {  	s17 =	simm.s32 $0x1F0;
	[tilespmem:$0x80] =	vst v3  }
0x28: {  	v3 =	vld.msk [tilespmem:s17+$0x0 ss:$0x1], $0xffff;
	_ =	sdelay $0x4  }
0x29: {  	(xrf1) =	vunique.msk.u32 $0xffff, v3;
	_ =	sdelay $0xd  }
0x2a: {  	v4 =	vimm.s32 $0xFFFFFFFF;
	v5, _, _ =	vpop (xrf1)  }
0x2b: {  	vm5 =	vne.s32 v3, v4;
	vm4 =	veq.s32 v5, v2  }
0x2c: {  	vm6 =	vlt.u32 v3, $0x4000;
	vm4 =	vmand vm5, vm4  }
0x2d: {  	vm4 =	vmand vm6, vm4  }
0x2e: {  	v4 =	vnsel vm4, $0xFFFFFFFF, v3;
	_ =	sdelay $0x3  }
0x2f: {  	s0 =	simm.s32 $0x4F0;
	(ifvalue) =	ssetifvalue $0xFFFFFFFF  }
0x30: {  	v3 =	vperm.xlane v3, v1;
	[tilespmem:s0], [sflag:$0x8] =	stream.indirect_vreg.gather [hbm4b:s1+s14], $0x1, v4, vm0, $0x4038;
	v4 =	vnsel vm6, $0xFFFFFFFE, v4;
	[tilespmem:$0xA20] =	vst v63  }
0x31: {  	s2 =	simm.s32 $0x0;
	s16 =	simm.s32 $0x1E0;
	[tilespmem:s17+$0x0] =	vst v4  }
.LBB2_6:
0x32: {  	v4 =	vld.msk [tilespmem:s16+$0x0 ss:$0x1], $0xffff;
	s2 =	sadd.s32 $0x10, s2;
	v5 =	vmov v3;
	s17 =	smov.u32 s16  }
0x33: {  	p0 =	slt.u32 s2, $0xF0;
	_ =	sdelay $0x4  }
0x34: {  	v3 =	vperm.xlane v4, v1;
	(xrf1) =	vunique.msk.u32 $0xffff, v4;
	_ =	sdelay $0xd  }
0x35: {  	v6, _, _ =	vpop (xrf1)  }
0x36: {  	vm5 =	vne.s32 v4, v5;
	vm4 =	veq.s32 v6, v2  }
0x37: {  	vm6 =	vlt.u32 v4, $0x4000;
	vm4 =	vmand vm5, vm4  }
0x38: {  	vm4 =	vmand vm6, vm4  }
0x39: {  	v4 =	vnsel vm4, $0xFFFFFFFF, v4  }
.Ltmp4:
0x3a: {  	v5 =	vnsel vm6, $0xFFFFFFFE, v4;
	(pc) =	sbr.rel @p0 .LBB2_6-.Ltmp4, $3  }
0x3b: {  	_ =	sdelay $0x1  }
0x3c: {  	s16 =	sadd.s32 $0xFFFFFFF0, s16;
	s0 =	sadd.s32 $0xFFFFFFF0, s0;
	(ifvalue) =	ssetifvalue $0xFFFFFFFF  }
0x3d: {  	[tilespmem:s0], [sflag:$0x8] =	stream.indirect_vreg.gather [hbm4b:s1+s14], $0x1, v4, vm0, $0x4038;
	[tilespmem:s17+$0x0] =	vst v5  }
.Ltmp5:
0x3e: {  	(pc) =	sbr.rel .LBB2_4-.Ltmp5, $4  }
0x3f: {  	_ = 	snop  }
0x40: {  	s0 =	sshrl.u32 s30, $0x3  }
0x41: {  	s2 =	simm.s32 $0x600;
	s0 =	sadd.s32 s5, s0  }
0x42: {  	[tilespmem:s2], [sflag:$0x8] =	stream.linear.gather [hbm:s0], $0x100, $0x38;
	[tilespmem:$0xA20] =	vst v63  }
.LBB2_11:
0x43: {  	p0 =	seq.s32 s29, $0x2  }
.Ltmp6:
0x44: {  	_ = 	snop;
	(pc) =	sbr.rel @!p0 .LBB2_12-.Ltmp6, $1  }
0x45: {  	_ =	sdelay $0x3  }
0x46: {  	_ =	swait.ge [sflag:s7], $0x200  }
0x47: {  	[sflag:s7] =	ssyncset.done $0x0  }
0x48: {  	s0 =	simm.s32 $0x1FF;
	[sflag:s7] =	ssyncadd.s32 $0xFFFFFE00  }
0x49: {  	[spmem:s11] =	stream.linear.scatter [tilespmem:s0], [sflag:$0x1], $0x1, $0x38;
	[tilespmem:$0xA20] =	vst v63  }
0x4a: {  	_ =	swait.ge [sflag:s3], $0x1  }
0x4b: {  	[sflag:s3] =	ssyncset.done $0x0  }
0x4c: {  	[sflag:s3] =	ssyncadd.s32 $0xFFFFFFFF  }
0x4d: {  	v4 =	vld [tilespmem:$0x10]  }
0x4e: {  	v5 =	vld [tilespmem:$0x70]  }
0x4f: {  	v3 =	vld [tilespmem:$0x80];
	_ =	sdelay $0x2  }
0x50: {  	(v2sf) =	vpush v4, $0x0  }
0x51: {  	(v2sf) =	vpush v5, $0x0  }
0x52: {  	(v2sf) =	vpush v3, $0x0;
	_ =	sdelay $0xc  }
0x53: {  	s16 =	spop (v2sf)  }
0x54: {  	s2 =	spop (v2sf)  }
0x55: {  	s30 =	spop (v2sf)  }
0x56: {  	p0 =	seq.s32 s16, s2;
	p1 =	seq.s32 s30, s16  }
0x57: {  	p1 =	por p0, p1  }
0x58: {  	v4 =	vpsel p1, $0xFFFFFFFF, v4  }
0x59: {  	[tilespmem:s18+$0x0] =	vst.msk $0x1, v4  }
0x5a: {  	v4 =	vld [tilespmem:$0x30]  }
0x5b: {  	v5 =	vld [tilespmem:$0x600]  }
0x5c: {  	v6 =	vld [tilespmem:$0x40];
	_ =	sdelay $0x3  }
0x5d: {  	vm4 =	vmmov vm1;
	v5 =	vadd.f32 v5, v4  }
0x5e: {  	vm5 =	vmmov vm2;
	s31 =	simm.s32 $0x600;
	vm4 =	vmmov @p0 vm2;
	v4 =	vadd.f32 v6, v4  }
0x5f: {  	vm5 =	vmmov @p1 vm1;
	[tilespmem:s31+$0x0] =	vst.msk vm4, v5  }
0x60: {  	[tilespmem:s19+$0x0] =	vst.msk vm5, v4  }
0x61: {  	v4 =	vld [tilespmem:$0x4F0];
	_ =	sdelay $0x3  }
0x62: {  	v5 =	vimm.f32 $0.0e+00  }
0x63: {  	v4 =	vshift.insert v4, v5, s20;
	_ =	sdelay $0x1  }
0x64: {  	[tilespmem:s21+$0x0] =	vst.msk $0x1, v4  }
0x65: {  	[tilespmem:s22+$0x0] =	vst.msk $0x1, v5  }
0x66: {  	v4 =	vld [tilespmem:$0x1F0];
	_ =	sdelay $0x4  }
0x67: {  	v4 =	vshift.insert v4, v1, s20;
	_ =	sdelay $0x1  }
0x68: {  	[tilespmem:s23+$0x0] =	vst.msk $0x1, v4  }
0x69: {  	s17 =	simm.s32 $0x100;
	v6 =	vld [tilespmem:s31+$0x0]  }
0x6a: {  	v7 =	vld [tilespmem:s17+$0x0];
	_ =	sdelay $0x3  }
0x6b: {  	v5 =	vadd.f32 v6, v5  }
0x6c: {  	vm4 =	vne.s32 v7, $0xFFFFFFFF  }
0x6d: {  	(xrf2) =	vadd.seg.scan.f32 vm4, v5;
	_ =	sdelay $0x3  }
0x6e: {  	s0 =	simm.s32 $0x400;
	v5 =	vperm.xlane v4, v1  }
0x6f: {  	v6 =	vld [tilespmem:s0+$0x0]  }
0x70: {  	vm5 =	veq.s32 v7, v3;
	vm6 =	veq.s32 v7, v5  }
0x71: {  	vm7 =	vgt.u32 v7, $0xFFFFFFFD;
	vm6 =	vmor vm6, vm5  }
0x72: {  	vm6 =	vmor vm6, vm7  }
0x73: {  	v9 =	vld [tilespmem:$0xA0];
	v7 =	vsel vm6, $0xFFFFFFFF, v7  }
0x74: {  	v10 =	vld [tilespmem:$0x90];
	v6 =	vsel vm5, $0x0, v6;
	v8, _, _ =	vpop (xrf2)  }
0x75: {  	v6 =	vadd.f32 v8, v6  }
0x76: {  	s2 =	simm.s32 $0x800  }
0x77: {  	vm4 =	vmand vm4, vm3;
	[tilespmem:s2+$0x0] =	vst v6;
	(ifvalue) =	ssetifvalue $0xFFFFFFFF  }
0x78: {  	vm6 =	veq.s32 v9, $0x1;
	[hbm4b:s1+s14] =	stream.indirect_vreg.scatter [tilespmem:s2], [sflag:$0x2], $0x1, v7, vm0, $0x4038;
	v7 =	vsel vm4, $0x0, v8;
	[tilespmem:$0xA20] =	vst v63  }
0x79: {  	s16 =	simm.s32 $0x0;
	s17 =	simm.s32 $0x110;
	vm4 =	vmor vm6, vm5;
	v6 =	vsel vm5, v8, v10;
	v7 =	vshift.insert v7, v0, s20  }
.LBB2_9:
0x7a: {  	v8 =	vld [tilespmem:s17+$0x0];
	s31 =	sadd.s32 $0x10, s31  }
0x7b: {  	s0 =	sadd.s32 $0x10, s0;
	v9 =	vld [tilespmem:s31+$0x0]  }
0x7c: {  	s16 =	sadd.s32 $0x10, s16;
	v10 =	vld [tilespmem:s0+$0x0]  }
0x7d: {  	p0 =	slt.u32 s16, $0xF0;
	_ =	sdelay $0x2  }
0x7e: {  	v7 =	vadd.f32 v9, v7  }
0x7f: {  	vm5 =	vne.s32 v8, $0xFFFFFFFF  }
0x80: {  	vm6 =	vmand vm5, vm3;
	(xrf2) =	vadd.seg.scan.f32 vm5, v7;
	_ =	sdelay $0x5  }
0x81: {  	vm7 =	veq.s32 v8, v5;
	vm5 =	veq.s32 v8, v3  }
0x82: {  	vm8 =	vgt.u32 v8, $0xFFFFFFFD;
	vm4 =	vmor vm4, vm5;
	vm7 =	vmor vm7, vm5  }
0x83: {  	vm7 =	vmor vm7, vm8  }
0x84: {  	v8 =	vsel vm7, $0xFFFFFFFF, v8  }
.Ltmp7:
0x85: {  	v7 =	vsel vm5, $0x0, v10;
	v9, _, _ =	vpop (xrf2);
	(pc) =	sbr.rel @p0 .LBB2_9-.Ltmp7, $4  }
0x86: {  	v6 =	vsel vm5, v9, v6;
	v10 =	vadd.f32 v9, v7;
	v7 =	vsel vm6, $0x0, v9  }
0x87: {  	s2 =	sadd.s32 $0x10, s2;
	v7 =	vshift.insert v7, v0, s20  }
0x88: {  	s17 =	sadd.s32 $0x10, s17;
	[tilespmem:s2+$0x0] =	vst v10;
	(ifvalue) =	ssetifvalue $0xFFFFFFFF  }
0x89: {  	[hbm4b:s1+s14] =	stream.indirect_vreg.scatter [tilespmem:s2], [sflag:$0x2], $0x1, v8, vm0, $0x4038;
	[tilespmem:$0xA20] =	vst v63  }
0x8a: {  	v3 =	vld [tilespmem:$0x8F0];
	_ =	sdelay $0x4  }
0x8b: {  	v3 =	vshift.insert v3, v0, s20;
	_ =	sdelay $0x1  }
0x8c: {  	[tilespmem:s24+$0x0] =	vst.msk $0x1, v3  }
0x8d: {  	v3 =	vsel vm4, $0x1, v1;
	[tilespmem:$0x90] =	vst v6  }
0x8e: {  	[tilespmem:$0xA0] =	vst v3  }
0x8f: {  	[spmem:s12] =	stream.linear.scatter [tilespmem:s25], [sflag:$0x1], $0x1, $0x38;
	[tilespmem:$0xA20] =	vst v63  }
0x90: {  	v3 =	vmctz.xlane vm4;
	_ =	swait.ge [sflag:s3], $0x1  }
0x91: {  	(v2sf) =	vpush v4, $0x0  }
0x92: {  	(v2sf) =	vpush v3, $0x0;
	_ =	sdelay $0xd  }
0x93: {  	s0 =	spop (v2sf)  }
0x94: {  	s2 =	spop (v2sf)  }
0x95: {  	[sflag:s3] =	ssyncset.done $0x0;
	p0 =	sne.s32 s30, s0;
	p1 =	slt.s32 s2, $0xF  }
0x96: {  	[sflag:s3] =	ssyncadd.s32 $0xFFFFFFFF;
	v3 =	vimm.s32 @!p0 $0xFFFFFFFF;
	s2 =	simm.s32 @!p1 $0xF  }
0x97: {  	[tilespmem:$0x80] =	vst @!p0 v3;
	s31 =	sadd.s32 $0x90, s2  }
0x98: {  	[spmem:s10] =	stream.linear.scatter [tilespmem:s31], [sflag:$0x1], $0x1, $0x38;
	[tilespmem:$0xA20] =	vst v63  }
0x99: {  	_ =	swait.ge [sflag:s3], $0x1  }
0x9a: {  	[sflag:s3] =	ssyncset.done $0x0  }
0x9b: {  	[sflag:s3] =	ssyncadd.s32 $0xFFFFFFFF  }
0x9c: {  	[spmem:s13] =	stream.linear.scatter [tilespmem:s26], [sflag:$0x1], $0x1, $0x38;
	[tilespmem:$0xA20] =	vst v63  }
0x9d: {  	_ =	swait.ge [sflag:s3], $0x1  }
0x9e: {  	[sflag:s3] =	ssyncset.done $0x0  }
0x9f: {  	[sflag:s3] =	ssyncadd.s32 $0xFFFFFFFF;
	(ifvalue) =	ssetifvalue $0xFFFFFFFF;
	v3 =	vld [tilespmem:$0x10];
	_ =	sdelay $0x3  }
.Ltmp8:
0xa0: {  	_ = 	snop;
	(pc) =	sbr.rel .LBB2_4-.Ltmp8, $3  }
0xa1: {  	_ =	sdelay $0x1  }
0xa2: {  	(ifvalue) =	ssetifvalue $0xFFFFFFFF  }
0xa3: {  	[hbm4b:s1+s14] =	stream.indirect_vreg.scatter [tilespmem:s19], [sflag:$0x9], $0x1, v3, vm0, $0x4038;
	[tilespmem:$0xA20] =	vst v63  }
.LBB2_12:
0xa4: {  	s0 =	simm.s32 $0x2  }
0xa5: {  	_ =	swait.ge [sflag:s0], $0x100  }
0xa6: {  	[sflag:s0] =	ssyncset.done $0x0  }
0xa7: {  	s31 =	simm.s32 $0x9;
	[sflag:s0] =	ssyncadd.s32 $0xFFFFFF00  }
0xa8: {  	_ =	swait.ge [sflag:s31], $0x10  }
0xa9: {  	[sflag:s31] =	ssyncset.done $0x0  }
0xaa: {  	[sflag:s31] =	ssyncadd.s32 $0xFFFFFFF0  }
.LBB2_13:
0xab: {  	_ =	sfence.sel $0x180000  }
0xac: {  	s0 =	simm.s32 $0x7;
	[bflag:$0x0] =	sbarrier.arrive $0xFFFF  }
0xad: {  	s26 =	simm.s32 $0x8;
	[sflag:s0] =	ssyncpa.u1 $0x1  }
0xae: {  	s28 =	simm.s32 $0x9;
	[sflag:s26] =	ssyncpa.u1 $0x1  }
0xaf: {  	[sflag:s28] =	ssyncpa.u1 $0x1  }
0xb0: {  	_ =	sfence.stream.spmem  }
0xb1: {  	s29 =	simm.s32 $0x3;
	[bflag:$0x0] =	sbarrier.arrive $0xFFFF  }
0xb2: {  	s30 =	simm.s32 $0x4;
	[sflag:s29] =	ssyncpa.u1 $0x1  }
0xb3: {  	s31 =	simm.s32 $0x3C;
	s2 =	stileid.u32;
	[sflag:s30] =	ssyncpa.u1 $0x1  }
0xb4: {  	p0 =	sne.s32 s2, $0x0;
	[sflag:s31] =	ssyncpa.u1 $0x1  }
0xb5: {  	s0 =	simm.s32 @p0 $0x1;
	_ =	sfence @p0  }
0xb6: {  	[sflag:s0] =	ssyncpa.u1 @p0 $0x1;
	s0 =	simm.s32 @p0 $0x2  }
0xb7: {  	[sflag:s0] =	ssyncpa.u1 @p0 $0x1  }
0xb8: {  	_ =	strace @p0 $0x90000053  }
0xb9: {  	[bflag:$0x2] =	sbarrier.arrive @p0 $0xFFFF  }
0xba: {  	_ =	shalt @p0  }
.LBB2_14:
0xbb: {  	_ =	sfence.stream.spmem;
	s0 =	simm.s32 $0x5  }
0xbc: {  	s2 =	simm.s32 $0x80;
	s3 =	simm.s32 $0xC0;
	[sflag:s0] =	ssyncpa.u1 $0x0  }
0xbd: {  	[tilespmem:s3], [sflag:$0x5] =	stream.linear.gather [spmem:s2], $0x20, $0x38;
	[tilespmem:$0xA20] =	vst v63  }
0xbe: {  	s2 =	simm.s32 $0x0;
	s3 =	simm.s32 $0xE0  }
0xbf: {  	[tilespmem:s3], [sflag:$0x5] =	stream.linear.gather [spmem:s2], $0x20, $0x38;
	[tilespmem:$0xA20] =	vst v63  }
.Ltmp9:
0xc0: {  	_ = 	snop;
	(pc) =	sbr.rel .LBB2_15-.Ltmp9, $4  }
0xc1: {  	_ =	swait.ge [sflag:s0], $0x40  }
0xc2: {  	[sflag:s0] =	ssyncset.done $0x0  }
0xc3: {  	s31 =	simm.s32 $0x6;
	[sflag:s0] =	ssyncadd.s32 $0xFFFFFFC0  }
0xc4: {  	s4 =	simm.s32 $0x0;
	[sflag:s31] =	ssyncpa.u1 $0x0  }
.LBB2_20:
0xc5: {  	p0 =	sgt.u32 s0, $0x3FFF  }
0xc6: {  	s5 =	sshrl.u32 @!p0 s0, $0x3  }
0xc7: {  	s0 =	sand.u32 @!p0 $0x7, s0;
	s6 =	simm.s32 @!p0 $0xB0;
	s5 =	sadd.s32 @!p0 s1, s5  }
0xc8: {  	[tilespmem:s6], [sflag:$0x6] =	stream.linear.gather @!p0 [hbm4b:s5+s0], $0x1, $0x38;
	[tilespmem:$0xA20] =	vst v63  }
0xc9: {  	s0 =	simm.s32 @!p0 $0x6  }
0xca: {  	_ =	swait.ge @!p0 [sflag:s0], $0x1  }
0xcb: {  	[sflag:s0] =	ssyncset.done @!p0 $0x0  }
0xcc: {  	[sflag:s0] =	ssyncadd.s32 @!p0 $0xFFFFFFFF  }
0xcd: {  	v2 =	vmov @!p0 s4;
	v1 =	vld.msk @!p0 [tilespmem:$0xB0], $0x1;
	_ =	sdelay $0x3  }
0xce: {  	s0 =	simm.s32 @!p0 $0xE0  }
0xcf: {  	[tilespmem:v2+s0+$0x0], v1 =	vst.idx.ret.add.f32.msk @!p0 $0x1, v1  }
0xd0: {  	[tilespmem:s2+$0xC0] =	vst.msk $0x1, v0  }
0xd1: {  	v0 =	vld.msk [tilespmem:s4+$0xE0], $0x1;
	_ =	sdelay $0x4  }
0xd2: {  	[tilespmem:s2+$0xE0] =	vst.msk $0x1, v0;
	s2 =	sadd.s32 $0x1, s2  }
.LBB2_22:
0xd3: {  	s4 =	sadd.s32 $0x1, s4  }
0xd4: {  	p0 =	sne.s32 s4, $0x20  }
.Ltmp10:
0xd5: {  	_ = 	snop;
	(pc) =	sbr.rel @!p0 .LBB2_23-.Ltmp10, $1  }
0xd6: {  	_ =	sdelay $0x3  }
.LBB2_15:
0xd7: {  	v0 =	vld.msk [tilespmem:s4+$0xC0], $0x1;
	_ =	sdelay $0x4  }
0xd8: {  	(v2sf) =	vpush v0, $0x0;
	_ =	sdelay $0xe  }
0xd9: {  	s0 =	spop (v2sf)  }
0xda: {  	p0 =	seq.s32 s0, $0xFFFFFFFF  }
.Ltmp11:
0xdb: {  	_ = 	snop;
	(pc) =	sbr.rel @p0 .LBB2_22-.Ltmp11, $1  }
0xdc: {  	_ =	sdelay $0x3  }
0xdd: {  	p0 =	slt.s32 s2, $0x1  }
.Ltmp12:
0xde: {  	_ = 	snop;
	(pc) =	sbr.rel @p0 .LBB2_20-.Ltmp12, $1  }
0xdf: {  	_ =	sdelay $0x3  }
0xe0: {  	s5 =	simm.s32 $0xC0;
	p0 =	por $0x0, $0x0  }
0xe1: {  	v1 =	vld.msk @!p0 [tilespmem:s5+$0x0], $0x1;
	_ =	sdelay $0x4  }
0xe2: {  	(v2sf) =	vpush @!p0 v1, $0x0;
	_ =	sdelay $0xd  }
0xe3: {  	p2 =	sne.s32 s2, $0x1  }
.Ltmp13:
0xe4: {  	s6 =	spop @!p0 (v2sf);
	(pc) =	sbr.rel @!p2 .LBB2_19-.Ltmp13, $4  }
0xe5: {  	p1 =	seq.s32 @!p0 s0, s6  }
0xe6: {  	s6 =	simm.s32 $0x0;
	p1 =	por !p1, p0  }
0xe7: {  	s8 =	simm.s32 $0xFFFFFFFF;
	s6 =	simm.s32 @p1 $0xFFFFFFFF  }
0xe8: {  	s7 =	simm.s32 $0x1;
	s6 =	smov.u32 @p0 s8  }
.LBB2_18:
0xe9: {  	s8 =	smov.u32 s6;
	p0 =	sne.s32 s6, $0xFFFFFFFF  }
0xea: {  	s5 =	sadd.s32 $0x1, s5;
	s6 =	smov.u32 s7;
	s7 =	sadd.s32 $0x1, s7  }
0xeb: {  	p1 =	sne.s32 s2, s7;
	v1 =	vld.msk @!p0 [tilespmem:s5+$0x0], $0x1;
	_ =	sdelay $0x4  }
0xec: {  	(v2sf) =	vpush @!p0 v1, $0x0;
	_ =	sdelay $0xe  }
.Ltmp14:
0xed: {  	s9 =	spop @!p0 (v2sf);
	(pc) =	sbr.rel @p1 .LBB2_18-.Ltmp14, $4  }
0xee: {  	p2 =	seq.s32 @!p0 s0, s9  }
0xef: {  	p2 =	por !p2, p0  }
0xf0: {  	s6 =	simm.s32 @p2 $0xFFFFFFFF  }
0xf1: {  	s6 =	smov.u32 @p0 s8  }
.LBB2_19:
0xf2: {  	p0 =	sne.s32 s6, $0xFFFFFFFF  }
.Ltmp15:
0xf3: {  	_ = 	snop;
	(pc) =	sbr.rel @!p0 .LBB2_20-.Ltmp15, $1  }
0xf4: {  	_ =	sdelay $0x3  }
0xf5: {  	v0 =	vld.msk [tilespmem:s4+$0xE0], $0x1;
	v1 =	vmov s6  }
.Ltmp16:
0xf6: {  	_ = 	snop;
	(pc) =	sbr.rel .LBB2_22-.Ltmp16, $2  }
0xf7: {  	_ =	sdelay $0x2  }
0xf8: {  	[tilespmem:v1+s3+$0x0], v0 =	vst.idx.ret.add.f32.msk $0x1, v0  }
.LBB2_23:
0xf9: {  	p0 =	slt.s32 s2, $0x1  }
.Ltmp17:
0xfa: {  	_ = 	snop;
	(pc) =	sbr.rel @p0 .LBB2_27-.Ltmp17, $3  }
0xfb: {  	_ =	sdelay $0x1  }
0xfc: {  	s0 =	simm.s32 $0x6  }
0xfd: {  	[sflag:s0] =	ssyncpa.u1 $0x1;
	s0 =	simm.s32 $0x0  }
0xfe: {  	s3 =	simm.s32 $0xC0  }
0xff: {  	v0 =	vld.msk [tilespmem:s3+$0x0], $0x1;
	_ =	sdelay $0x4  }
0x100: {  	(v2sf) =	vpush v0, $0x0;
	_ =	sdelay $0xe  }
0x101: {  	s2 =	sadd.s32 $0xFFFFFFFF, s2;
	s4 =	spop (v2sf)  }
0x102: {  	p1 =	sne.s32 s2, $0x0;
	p0 =	sgt.u32 s4, $0x3FFF  }
.Ltmp18:
0x103: {  	s5 =	sshrl.u32 @!p0 s4, $0x3;
	(pc) =	sbr.rel @!p1 .LBB2_26-.Ltmp18, $4  }
0x104: {  	s3 =	simm.s32 $0xE0;
	s4 =	sand.u32 @!p0 $0x7, s4;
	s5 =	sadd.s32 @!p0 s1, s5  }
0x105: {  	[hbm4b:s5+s4] =	stream.linear.scatter @!p0 [tilespmem:s3], [sflag:$0x5], $0x1, $0x38;
	[tilespmem:$0xA20] =	vst v63  }
0x106: {  	s5 =	simm.s32 $0x0  }
0x107: {  	s4 =	simm.s32 $0xC1;
	s5 =	simm.s32 @!p0 $0x4  }
.LBB2_25:
0x108: {  	v0 =	vld.msk [tilespmem:s4+$0x0], $0x1;
	s2 =	sadd.s32 $0xFFFFFFFF, s2;
	s0 =	sadd.s32 s0, s5  }
0x109: {  	p0 =	sne.s32 s2, $0x0;
	_ =	sdelay $0x3  }
0x10a: {  	(v2sf) =	vpush v0, $0x0;
	_ =	sdelay $0xe  }
.Ltmp19:
0x10b: {  	s6 =	spop (v2sf);
	(pc) =	sbr.rel @p0 .LBB2_25-.Ltmp19, $4  }
0x10c: {  	s5 =	simm.s32 $0x0;
	p1 =	sgt.u32 s6, $0x3FFF  }
0x10d: {  	s3 =	sadd.s32 $0x1, s3;
	s5 =	simm.s32 @!p1 $0x4;
	s7 =	sshrl.u32 @!p1 s6, $0x3  }
0x10e: {  	s4 =	sadd.s32 $0x1, s4;
	s6 =	sand.u32 @!p1 $0x7, s6;
	s7 =	sadd.s32 @!p1 s1, s7  }
0x10f: {  	[hbm4b:s7+s6] =	stream.linear.scatter @!p1 [tilespmem:s3], [sflag:$0x5], $0x1, $0x38;
	[tilespmem:$0xA20] =	vst v63  }
.LBB2_26:
0x110: {  	s0 =	sadd.s32 s0, s5  }
0x111: {  	s0 =	sshrl.u32 s0, $0x2  }
.LBB2_27:
0x112: {  	s1 =	simm.s32 $0x5  }
0x113: {  	_ =	swait.ge [sflag:s1], s0  }
0x114: {  	s28 =	ssub.s32 $0x0, s0;
	[sflag:s1] =	ssyncset.done $0x0  }
0x115: {  	[sflag:s1] =	ssyncadd.s32 s28  }
0x116: {  	[sflag:s1] =	ssyncpa.u1 $0x1  }
0x117: {  	s29 =	simm.s32 $0x1;
	_ =	sfence  }
0x118: {  	s30 =	simm.s32 $0x2;
	[sflag:s29] =	ssyncpa.u1 $0x1  }
0x119: {  	[sflag:s30] =	ssyncpa.u1 $0x1  }
0x11a: {  	_ =	strace $0x90000053  }
0x11b: {  	[bflag:$0x2] =	sbarrier.arrive $0xFFFF  }
0x11c: {  	s31 =	rddreg [dreg:$0x1]  }
0x11d: {  	s0 =	sadd.s32 $0x100000, s31  }
0x11e: {  	[sflag:s0] =	ssyncadd.tile.s32 $0x1;
	_ =	shalt  }
.Lfunc_end2:
_tile_overlayer_lowered:
.L_overlay_start_2:
0x11f: {  	(tag) =	ssettag $0x2  }
0x120: {  	s0 =	rddreg [dreg:$0x0];
	s2 =	stileid.u32  }
0x121: {  	s1 =	rddreg [dreg:$0x1];
	p0 =	sne.s32 s2, $0x0  }
0x122: {  	s3 =	rddreg [dreg:$0x2];
	[bflag:$0x3] =	sbarrier.arrive $0xFFFF;
	s2 =	simm.s32 @!p0 $0x1C01  }
0x123: {  	[timem:s3], [sflag:s2] =	dma.local @!p0 [hbm:s0], s1  }
0x124: {  	s0 =	simm.s32 @!p0 $0x1  }
0x125: {  	_ =	swait.ge @!p0 [sflag:s0], s1  }
0x126: {  	s1 =	ssub.s32 @!p0 $0x0, s1;
	[sflag:s0] =	ssyncset.done @!p0 $0x0  }
0x127: {  	[sflag:s0] =	ssyncadd.s32 @!p0 s1  }
0x128: {  	[bflag:$0x3] =	sbarrier.arrive $0xFFFF  }
0x129: {  	_ =	shalt  }

// kernel: scatter_offload_async_start
scs
__scs_entry_jumppad:
0x0: {  	(pc) =	sbr.rel $0x88, $3  }
0x1: {  	(tag) =	ssettag $0x0;
	lr =	simm.s32 $0x1  }
0x2: {  	[smem:$0x3F8A] =	sst lr;
	_ =	strace $0xD0000000  }
0x3: {  	_ = 	snop  }
0x4: {  	_ = 	snop  }
0x5: {  	_ = 	snop  }
0x6: {  	_ = 	snop  }
0x7: {  	_ = 	snop  }
__scs_overlays_trampoline_lowered:
0x8: {  	[smem:$0x3F99] =	sst s0  }
0x9: {  	[smem:$0x3F9A] =	sst s1  }
0xa: {  	[smem:$0x3F9B] =	sst s2  }
0xb: {  	[smem:$0x3F9C] =	sst s3  }
0xc: {  	[smem:$0x3F9D] =	sst s4  }
0xd: {  	[smem:$0x3F9E] =	sst s5  }
0xe: {  	[smem:$0x3F9F] =	sst s6  }
0xf: {  	[smem:$0x3FA0] =	sst s7  }
0x10: {  	[smem:$0x3FA1] =	sst s8  }
0x11: {  	[smem:$0x3FA2] =	sst s9;
	s0 =	simm.s32 @!p0 $0x0  }
0x12: {  	s1 =	sld [smem:$0x3F88];
	s0 =	simm.s32 @p0 $0x1  }
0x13: {  	[smem:$0x3FA3] =	sst s0;
	s0 =	simm.s32 @!p1 $0x0  }
0x14: {  	s2 =	sld [smem:$0x3F87];
	s0 =	simm.s32 @p1 $0x1  }
0x15: {  	[smem:$0x3FA4] =	sst s0;
	s0 =	simm.s32 @!p2 $0x0  }
0x16: {  	s3 =	sld [smem:$0x3FDB];
	s0 =	simm.s32 @p2 $0x1  }
0x17: {  	s4 =	simm.s32 $0x1BF5;
	[smem:$0x3FA6] =	sst s0  }
0x18: {  	s0 =	sld [smem:$0x3F89];
	_ =	swait.ge [sflag:s4], $0x0  }
0x19: {  	s7 =	sld [smem:$0x3F8A]  }
0x1a: {  	s8 =	sadd.s32 $0xFFFFE003, lr  }
0x1b: {  	s9 =	sadd.s32 $0xFFFFFEF7, lr;
	s5 =	simm.s32 $0xFFFFFFFF;
	p2 =	slt.u32 s8, $0xFFFFF086  }
0x1c: {  	p1 =	slt.u32 s9, $0xF7A;
	s5 =	simm.s32 @!p2 $0x0  }
0x1d: {  	s5 =	simm.s32 @p1 $0x1;
	p0 =	seq.s32 s7, s2  }
0x1e: {  	s7 =	smul.u32 @!p0 $0xF7A, s2;
	p2 =	seq.s32 @!p0 s5, $0x0  }
0x1f: {  	s9 =	smul.u32 $0xF7A, s1;
	s8 =	simm.s32 @!p0 $0x1BF5;
	p2 =	por !p2, p0  }
0x20: {  	[sflag:s8] =	ssyncset.s32 @!p0 $0xFFFFF086;
	s6 =	sadd.s32 @!p0 s3, s7;
	s7 =	simm.s32 @!p0 $0x108  }
0x21: {  	s3 =	sadd.s32 s3, s9;
	s6 =	sadd.s32 @!p0 $0x88, s6;
	s7 =	simm.s32 @p2 $0x1082  }
0x22: {  	[simem:s7], [sflag:s8] =	dma.local @!p0 [hbm:s6], $0xF7A  }
0x23: {  	s9 =	sor.u32 $0xD0000000, s2;
	s6 =	simm.s32 $0x108;
	_ =	swait.ge @!p0 [sflag:s8], $0x0  }
0x24: {  	s3 =	sadd.s32 $0x88, s3;
	s6 =	simm.s32 @!p1 $0x1082;
	[sflag:s4] =	ssyncset.s32 $0xFFFFF086  }
0x25: {  	[simem:s6], [sflag:s4] =	dma.local [hbm:s3], $0xF7A  }
0x26: {  	[smem:$0x3F8A] =	sst s1;
	(tag) =	ssettag s2;
	_ =	strace s9  }
0x27: {  	s1 =	sld [smem:$0x3F9A]  }
0x28: {  	s2 =	sld [smem:$0x3F9B]  }
0x29: {  	s4 =	sld [smem:$0x3F9D]  }
0x2a: {  	p0 =	seq.s32 s5, $0x0;
	s5 =	sld [smem:$0x3F9E]  }
0x2b: {  	s6 =	sld [smem:$0x3F9F]  }
0x2c: {  	s7 =	sld [smem:$0x3FA0]  }
0x2d: {  	s3 =	simm.s32 $0x108;
	s8 =	sld [smem:$0x3FA1]  }
0x2e: {  	s3 =	simm.s32 @!p0 $0x1082;
	s9 =	sld [smem:$0x3FA2]  }
0x2f: {  	lr =	sadd.s32 s0, s3;
	s0 =	sld [smem:$0x3F99]  }
0x30: {  	s3 =	sld [smem:$0x3F9C]  }
0x31: {  	[smem:$0x3FA5] =	sst s10  }
0x32: {  	s10 =	sld [smem:$0x3FA3];
	_ =	sdelay $0x3  }
0x33: {  	p0 =	seq.s32 s10, $0x1;
	s10 =	sld [smem:$0x3FA5];
	_ =	sdelay $0x3  }
0x34: {  	[smem:$0x3FA5] =	sst s10  }
0x35: {  	s10 =	sld [smem:$0x3FA4];
	_ =	sdelay $0x3  }
0x36: {  	p1 =	seq.s32 s10, $0x1;
	s10 =	sld [smem:$0x3FA5];
	_ =	sdelay $0x3  }
0x37: {  	[smem:$0x3FA5] =	sst s10  }
0x38: {  	s10 =	sld [smem:$0x3FA6]  }
0x39: {  	_ = 	snop;
	(pc) =	sbr.ind lr, $3  }
0x3a: {  	_ = 	snop  }
0x3b: {  	_ = 	snop  }
0x3c: {  	p2 =	seq.s32 s10, $0x1;
	s10 =	sld [smem:$0x3FA5]  }
0x3d: {  	_ =	shalt  }
0x3e: {  	_ =	shalt  }
0x3f: {  	_ =	shalt  }
0x40: {  	_ =	shalt  }
0x41: {  	_ =	shalt  }
0x42: {  	_ =	shalt  }
0x43: {  	_ =	shalt  }
0x44: {  	_ =	shalt  }
0x45: {  	_ =	shalt  }
0x46: {  	_ =	shalt  }
0x47: {  	_ =	shalt  }
0x48: {  	_ =	shalt  }
0x49: {  	_ =	shalt  }
0x4a: {  	_ =	shalt  }
0x4b: {  	_ =	shalt  }
0x4c: {  	_ =	shalt  }
0x4d: {  	_ =	shalt  }
0x4e: {  	_ =	shalt  }
0x4f: {  	_ =	shalt  }
0x50: {  	_ =	shalt  }
0x51: {  	_ =	shalt  }
0x52: {  	_ =	shalt  }
0x53: {  	_ =	shalt  }
0x54: {  	_ =	shalt  }
0x55: {  	_ =	shalt  }
0x56: {  	_ =	shalt  }
0x57: {  	_ =	shalt  }
0x58: {  	_ =	shalt  }
0x59: {  	_ =	shalt  }
0x5a: {  	_ =	shalt  }
0x5b: {  	_ =	shalt  }
0x5c: {  	_ =	shalt  }
0x5d: {  	_ =	shalt  }
0x5e: {  	_ =	shalt  }
0x5f: {  	_ =	shalt  }
0x60: {  	_ =	shalt  }
0x61: {  	_ =	shalt  }
0x62: {  	_ =	shalt  }
0x63: {  	_ =	shalt  }
0x64: {  	_ =	shalt  }
0x65: {  	_ =	shalt  }
0x66: {  	_ =	shalt  }
0x67: {  	_ =	shalt  }
0x68: {  	_ =	shalt  }
0x69: {  	_ =	shalt  }
0x6a: {  	_ =	shalt  }
0x6b: {  	_ =	shalt  }
0x6c: {  	_ =	shalt  }
0x6d: {  	_ =	shalt  }
0x6e: {  	_ =	shalt  }
0x6f: {  	_ =	shalt  }
0x70: {  	_ =	shalt  }
0x71: {  	_ =	shalt  }
0x72: {  	_ =	shalt  }
0x73: {  	_ =	shalt  }
0x74: {  	_ =	shalt  }
0x75: {  	_ =	shalt  }
0x76: {  	_ =	shalt  }
0x77: {  	_ =	shalt  }
0x78: {  	_ =	shalt  }
0x79: {  	_ =	shalt  }
0x7a: {  	_ =	shalt  }
0x7b: {  	_ =	shalt  }
0x7c: {  	_ =	shalt  }
0x7d: {  	_ =	shalt  }
0x7e: {  	_ =	shalt  }
0x7f: {  	_ =	shalt  }
0x80: {  	_ =	shalt  }
0x81: {  	_ =	shalt  }
0x82: {  	_ =	shalt  }
0x83: {  	_ =	shalt  }
0x84: {  	_ =	shalt  }
0x85: {  	_ =	shalt  }
0x86: {  	_ =	shalt  }
0x87: {  	_ =	shalt  }
.Lfunc_end0:
.L_simem_size_0:
called_computation_lowered:
.L_overlay_start_0:
0x88: {  	s0 =	sld [smem:$0x3FD9]  }
0x89: {  	s1 =	sld [smem:$0x3FFE];
	_ =	sdelay $0x3  }
0x8a: {  	s0 =	sadd.s32 s1, s0  }
0x8b: {  	[smem:$0x3FB1] =	sst s0  }
0x8c: {  	_ = 	snop  }
0x8d: {  	(tm) =	ssettm $0x1  }
0x8e: {  	s14 =	sld [smem:$0x3FFB];
	_ =	sdelay $0x3  }
0x8f: {  	_ =	strace s14  }
0x90: {  	s0 =	sld [smem:$0x3FFC];
	_ =	sdelay $0x3  }
0x91: {  	_ =	strace s0  }
0x92: {  	s0 =	sld [smem:$0x3FFD];
	_ =	sdelay $0x3  }
0x93: {  	_ =	strace s0  }
0x94: {  	_ =	strace $0x8FFFFFFF  }
0x95: {  	s15 =	sld [smem:$0x3FDB];
	_ =	sdelay $0x1  }
0x96: {  	s16 =	simm.s32 $_scs_section_size  }
0x97: {  	s2 =	simm.s32 $_size__tile_overlayer_lowered;
	s3 =	simm.s32 $_tile_overlayer_lowered  }
0x98: {  	s4 =	simm.s32 $0x1BFF;
	s17 =	sshll.u32 s3, $0x1;
	s1 =	sadd.s32 s16, s15  }
0x99: {  	s18 =	simm.s32 $0x0;
	s2 =	sshll.u32 s2, $0x1;
	s3 =	sadd.s32 s17, s1  }
0x9a: {  	[timem:s18], [sflag:s4] =	dma.local [hbm:s3], s2  }
0x9b: {  	_ =	swait.ge [sflag:s4], s2  }
0x9c: {  	s2 =	ssub.s32 $0x0, s2;
	[sflag:s4] =	ssyncset.done $0x0  }
0x9d: {  	[sflag:s4] =	ssyncadd.s32 s2;
	_ =	sdelay $0x1  }
0x9e: {  	s19 =	simm.s32 $0x1B8B  }
0x9f: {  	_ =	swait.ge [sflag:s19], $0x1  }
0xa0: {  	[sflag:s19] =	ssyncset.done $0x0  }
0xa1: {  	s21 =	simm.s32 $0x1B8E;
	s20 =	sld [smem:$0x3FFE];
	[sflag:s19] =	ssyncadd.s32 $0xFFFFFFFF  }
0xa2: {  	s22 =	simm.s32 $execute0_lowered;
	[smem:$0x3FD2] =	sst s21  }
0xa3: {  	s3 =	sshll.u32 s22, $0x1;
	_ =	strace $0x8000004C;
	[dreg:$0x1] =	wrdreg $0xFFFFFFFF  }
0xa4: {  	s23 =	simm.s32 $_size_execute0_lowered;
	s3 =	sadd.s32 s1, s3;
	[dreg:$0x0] =	wrdreg $0x0  }
0xa5: {  	s4 =	sshll.u32 s23, $0x1;
	[dreg:$0x2] =	wrdreg s3  }
0xa6: {  	[dreg:$0x3] =	wrdreg s4  }
0xa7: {  	[dreg:$0x4] =	wrdreg $0xC0  }
0xa8: {  	s24 =	simm.s32 $execute1_lowered;
	_ =	task [dreg:s18], $0x5FFFF  }
0xa9: {  	s3 =	sshll.u32 s24, $0x1;
	[dreg:$0x1] =	wrdreg $0xFFFFFFFF  }
0xaa: {  	s1 =	sadd.s32 s1, s3;
	[dreg:$0x0] =	wrdreg $0x60  }
0xab: {  	[dreg:$0x2] =	wrdreg s1  }
0xac: {  	[dreg:$0x3] =	wrdreg s20  }
0xad: {  	[dreg:$0x4] =	wrdreg $0x9  }
0xae: {  	_ =	task.clear_ibuf [dreg:s18], $0x5FFFF;
	_ =	strace $0x9000004C  }
0xaf: {  	s25 =	simm.s32 $0x9;
	_ =	strace $0x8000004E  }
0xb0: {  	_ =	swait.ge [sflag:s25], $0x1  }
0xb1: {  	[sflag:s25] =	ssyncadd.s32 $0xFFFFFFFF  }
0xb2: {  	_ =	strace $0x9000004E  }
0xb3: {  	_ =	strace $0x8000004F;
	[dreg:$0x1] =	wrdreg $0xFFFFFFFF  }
0xb4: {  	[dreg:$0x0] =	wrdreg $0x2030  }
0xb5: {  	[dreg:$0x2] =	wrdreg s20  }
0xb6: {  	[dreg:$0x3] =	wrdreg $0xA  }
0xb7: {  	_ =	task.clear_ibuf [dreg:s18], $0x4FFFF;
	_ =	strace $0x9000004F  }
0xb8: {  	s26 =	simm.s32 $0xA;
	_ =	strace $0x80000051  }
0xb9: {  	_ =	swait.ge [sflag:s26], $0x1  }
0xba: {  	[sflag:s26] =	ssyncadd.s32 $0xFFFFFFFF  }
0xbb: {  	_ =	strace $0x90000051  }
0xbc: {  	_ =	sfence  }
0xbd: {  	s28 =	sld [smem:$0x0];
	_ =	sdelay $0x1  }
0xbe: {  	s29 =	srdreg.scid  }
0xbf: {  	s30 =	sshll.u32 s29, $0xD;
	s31 =	sshrl.u32 s29, $0x2  }
0xc0: {  	s2 =	sand.u32 $0x1, s29;
	s3 =	sand.u32 $0x4000, s30;
	s1 =	sadd.s32 s31, s28  }
0xc1: {  	s2 =	sor.u32 s3, s2;
	s1 =	sshll.u32 s1, $0x11  }
0xc2: {  	s1 =	sor.u32 s1, s2  }
0xc3: {  	s1 =	sadd.s32 $0x8F2B, s1  }
0xc4: {  	[sflag:s1] =	ssyncadd.remote.s32 $0x1  }
0xc5: {  	_ =	sfence.sel $0xFFFF  }
0xc6: {  	[dreg:$0x0] =	wrdreg $0xFFFFFFFF;
	(pc) =	sbr.abs _section_cstart, $3  }
0xc7: {  	[dreg:$0x1] =	wrdreg $0xFFFFFFFF  }
0xc8: {  	_ =	task.clear_ibuf [dreg:s18], $0x2FFFF;
	_ =	strace $0x9FFFFFFF  }
0xc9: {  	(tm) =	ssettm $0x7FFFFFFF  }
tec
execute0_lowered:
.L_overlay_start_1:
0x0: {  	(tag) =	ssettag $0x1  }
0x1: {  	s2 =	rddreg [dreg:$0x0]  }
0x2: {  	s3 =	rddreg [dreg:$0x1]  }
0x3: {  	s0 =	rddreg [dreg:$0x2];
	s4 =	stileid.u32;
	[bflag:$0x3] =	sbarrier.arrive $0xFFFF  }
0x4: {  	s1 =	simm.s32 $_size_execute1_lowered;
	s7 =	simm.s32 $0x1;
	p0 =	sne.s32 s4, $0x0  }
0x5: {  	s1 =	sshll.u32 s1, $0x1;
	s5 =	simm.s32 @!p0 $0x1C3F;
	s6 =	simm.s32 @!p0 $0x4060  }
0x6: {  	[timem:s6], [sflag:s5] =	dma.local @!p0 [hbm:s2], s1  }
0x7: {  	s8 =	simm.s32 $0x2;
	s10 =	simm.s32 $0x0;
	s2 =	sshll.u32 s4, $0xA  }
0x8: {  	s9 =	simm.s32 $0x0;
	s4 =	sshll.u32 s4, $0x7;
	s29 =	ssub.s32 $0x4000, s2  }
.Ltmp0:
0x9: {  	_ =	strace $0x8000004D;
	s31 =	sand.u32 $0x3C00, s29;
	(pc) =	sbr.rel .LBB2_1-.Ltmp0, $4  }
0xa: {  	s30 =	sadd.s32 s4, s3;
	s3 =	sadd.s32 $0x430E00, s3;
	p1 =	sne.s32 s31, $0x0  }
0xb: {  	s4 =	simm.s32 $0x1;
	s5 =	sshrl.u32 s29, $0xE;
	s7 =	simm.s32 @!p1 $0x0  }
0xc: {  	[sflag:s4] =	ssyncpa.u1 $0x0;
	s6 =	sadd.s32 $0x430600, s30;
	s5 =	sadd.s32 s7, s5  }
0xd: {  	[sflag:s8] =	ssyncpa.u1 $0x0;
	s8 =	simm.s32 $0x0;
	s7 =	sadd.s32 $0x1, s5  }
.LBB2_5:
0xe: {  	p2 =	sne.s32 s9, s7  }
.Ltmp1:
0xf: {  	p1 =	slt.u32 s9, $0x2;
	(pc) =	sbr.rel @!p2 .LBB2_6-.Ltmp1, $4  }
0x10: {  	s10 =	simm.s32 @!p1 $0x2  }
0x11: {  	_ =	swait.ge @!p1 [sflag:s10], $0x400  }
0x12: {  	s11 =	sadd.s32 $0x1, s9;
	[sflag:s10] =	ssyncset.done @!p1 $0x0  }
0x13: {  	s9 =	smov.u32 s11;
	[sflag:s10] =	ssyncadd.s32 @!p1 $0xFFFFFC00;
	s10 =	smov.u32 s2  }
.LBB2_1:
0x14: {  	p1 =	sge.u32 s9, s5  }
0x15: {  	s11 =	sxor.u32 @!p1 $0xFFFFFFFF, s9  }
0x16: {  	s11 =	sshll.u32 @!p1 s11, $0xA  }
0x17: {  	s31 =	sadd.s32 $0xFFFFFFFF, s9;
	s12 =	simm.s32 @!p1 $0x0;
	s11 =	sand.u32 @!p1 $0x400, s11  }
0x18: {  	[tilespmem:s11], [sflag:$0x1] =	stream.linear.gather @!p1 [hbm4b:s6+s12], $0x400, $0x38;
	[tilespmem:$0x1000] =	vst v63  }
0x19: {  	p1 =	sge.u32 s31, s5  }
.Ltmp2:
0x1a: {  	_ = 	snop;
	(pc) =	sbr.rel @p1 .LBB2_5-.Ltmp2, $1  }
0x1b: {  	_ =	sdelay $0x3  }
0x1c: {  	s11 =	sshll.u32 s9, $0xA  }
0x1d: {  	s13 =	sand.u32 $0x400, s11  }
0x1e: {  	v0 =	vmov s13  }
0x1f: {  	_ =	swait.ge [sflag:s4], $0x400  }
0x20: {  	[sflag:s4] =	ssyncset.done $0x0;
	s11 =	sor.u32 $0x800, s13  }
0x21: {  	s12 =	simm.s32 $0x0;
	p1 =	por $0x1, $0x1;
	[sflag:s4] =	ssyncadd.s32 $0xFFFFFC00;
	v1 =	vmov s11  }
.LBB2_3:
0x22: {  	s13 =	sor.u32 $0x10, s12  }
0x23: {  	s14 =	sor.u32 $0x20, s12;
	v2 =	vld.idx.msk [tilespmem:v0+s13+$0x0 ss:$0x1], $0xffff  }
0x24: {  	s15 =	sor.u32 $0x30, s12;
	v3 =	vld.idx.msk [tilespmem:v0+s14+$0x0 ss:$0x1], $0xffff  }
0x25: {  	s16 =	sor.u32 $0x40, s12;
	v4 =	vld.idx.msk [tilespmem:v0+s15+$0x0 ss:$0x1], $0xffff  }
0x26: {  	s17 =	sor.u32 $0x50, s12;
	v5 =	vld.idx.msk [tilespmem:v0+s16+$0x0 ss:$0x1], $0xffff  }
0x27: {  	s18 =	sor.u32 $0x60, s12;
	v6 =	vld.idx.msk [tilespmem:v0+s17+$0x0 ss:$0x1], $0xffff  }
0x28: {  	s31 =	sor.u32 $0x70, s12;
	[tilespmem:v1+s13+$0x0 ss:$0x1] =	vst.idx.msk $0xffff, v2;
	v2 =	vld.idx.msk [tilespmem:v0+s18+$0x0 ss:$0x1], $0xffff  }
0x29: {  	s19 =	sor.u32 $0x80, s12;
	[tilespmem:v1+s14+$0x0 ss:$0x1] =	vst.idx.msk $0xffff, v3;
	v3 =	vld.idx.msk [tilespmem:v0+s31+$0x0 ss:$0x1], $0xffff  }
0x2a: {  	s20 =	sor.u32 $0x90, s12;
	v49 =	vld.idx.msk [tilespmem:v0+s19+$0x0 ss:$0x1], $0xffff;
	[tilespmem:v1+s15+$0x0 ss:$0x1] =	vst.idx.msk $0xffff, v4  }
0x2b: {  	s21 =	sor.u32 $0xA0, s12;
	v50 =	vld.idx.msk [tilespmem:v0+s20+$0x0 ss:$0x1], $0xffff;
	[tilespmem:v1+s16+$0x0 ss:$0x1] =	vst.idx.msk $0xffff, v5  }
0x2c: {  	s22 =	sor.u32 $0xB0, s12;
	v51 =	vld.idx.msk [tilespmem:v0+s21+$0x0 ss:$0x1], $0xffff;
	[tilespmem:v1+s17+$0x0 ss:$0x1] =	vst.idx.msk $0xffff, v6  }
0x2d: {  	s23 =	sor.u32 $0xC0, s12;
	[tilespmem:v1+s18+$0x0 ss:$0x1] =	vst.idx.msk $0xffff, v2;
	v2 =	vld.idx.msk [tilespmem:v0+s22+$0x0 ss:$0x1], $0xffff  }
0x2e: {  	s24 =	sor.u32 $0xD0, s12;
	[tilespmem:v1+s31+$0x0 ss:$0x1] =	vst.idx.msk $0xffff, v3;
	v3 =	vld.idx.msk [tilespmem:v0+s23+$0x0 ss:$0x1], $0xffff  }
0x2f: {  	s25 =	sor.u32 $0xE0, s12;
	v52 =	vld.idx.msk [tilespmem:v0+s24+$0x0 ss:$0x1], $0xffff;
	[tilespmem:v1+s19+$0x0 ss:$0x1] =	vst.idx.msk $0xffff, v49  }
0x30: {  	s26 =	sor.u32 $0xF0, s12;
	v53 =	vld.idx.msk [tilespmem:v0+s25+$0x0 ss:$0x1], $0xffff;
	[tilespmem:v1+s20+$0x0 ss:$0x1] =	vst.idx.msk $0xffff, v50  }
0x31: {  	s28 =	sor.u32 $0x100, s12;
	v54 =	vld.idx.msk [tilespmem:v0+s26+$0x0 ss:$0x1], $0xffff;
	[tilespmem:v1+s21+$0x0 ss:$0x1] =	vst.idx.msk $0xffff, v51  }
0x32: {  	s29 =	sor.u32 $0x110, s12;
	[tilespmem:v1+s22+$0x0 ss:$0x1] =	vst.idx.msk $0xffff, v2;
	v2 =	vld.idx.msk [tilespmem:v0+s28+$0x0 ss:$0x1], $0xffff  }
0x33: {  	s30 =	sor.u32 $0x120, s12;
	[tilespmem:v1+s23+$0x0 ss:$0x1] =	vst.idx.msk $0xffff, v3;
	v3 =	vld.idx.msk [tilespmem:v0+s29+$0x0 ss:$0x1], $0xffff  }
0x34: {  	v55 =	vld.idx.msk [tilespmem:v0+s30+$0x0 ss:$0x1], $0xffff;
	[tilespmem:v1+s24+$0x0 ss:$0x1] =	vst.idx.msk $0xffff, v52;
	s19 =	sor.u32 $0x140, s12  }
0x35: {  	[tilespmem:v1+s25+$0x0 ss:$0x1] =	vst.idx.msk $0xffff, v53;
	s24 =	sor.u32 $0x190, s12;
	v57 =	vld.idx.msk [tilespmem:v0+s19+$0x0 ss:$0x1], $0xffff  }
0x36: {  	[tilespmem:v1+s26+$0x0 ss:$0x1] =	vst.idx.msk $0xffff, v54;
	s20 =	sor.u32 $0x150, s12;
	v60 =	vld.idx.msk [tilespmem:v0+s24+$0x0 ss:$0x1], $0xffff  }
0x37: {  	s21 =	sor.u32 $0x160, s12;
	[tilespmem:v1+s28+$0x0 ss:$0x1] =	vst.idx.msk $0xffff, v2;
	v2 =	vld.idx.msk [tilespmem:v0+s20+$0x0 ss:$0x1], $0xffff  }
0x38: {  	s26 =	sor.u32 $0x1B0, s12;
	[tilespmem:v1+s29+$0x0 ss:$0x1] =	vst.idx.msk $0xffff, v3;
	v3 =	vld.idx.msk [tilespmem:v0+s21+$0x0 ss:$0x1], $0xffff  }
0x39: {  	[tilespmem:v1+s30+$0x0 ss:$0x1] =	vst.idx.msk $0xffff, v55;
	v61 =	vld.idx.msk [tilespmem:v0+s26+$0x0 ss:$0x1], $0xffff;
	s31 =	sor.u32 $0x130, s12  }
0x3a: {  	v56 =	vld.idx.msk [tilespmem:v0+s31+$0x0 ss:$0x1], $0xffff;
	[tilespmem:v1+s19+$0x0 ss:$0x1] =	vst.idx.msk $0xffff, v57;
	s22 =	sor.u32 $0x170, s12  }
0x3b: {  	[tilespmem:v1+s24+$0x0 ss:$0x1] =	vst.idx.msk $0xffff, v60;
	v58 =	vld.idx.msk [tilespmem:v0+s22+$0x0 ss:$0x1], $0xffff  }
0x3c: {  	s25 =	sor.u32 $0x1A0, s12;
	[tilespmem:v1+s20+$0x0 ss:$0x1] =	vst.idx.msk $0xffff, v2;
	v2 =	vld.idx.msk [tilespmem:v0+s12+$0x0 ss:$0x1], $0xffff  }
0x3d: {  	s23 =	sor.u32 $0x180, s12;
	[tilespmem:v1+s21+$0x0 ss:$0x1] =	vst.idx.msk $0xffff, v3;
	v3 =	vld.idx.msk [tilespmem:v0+s25+$0x0 ss:$0x1], $0xffff  }
0x3e: {  	[tilespmem:v1+s26+$0x0 ss:$0x1] =	vst.idx.msk $0xffff, v61;
	v59 =	vld.idx.msk [tilespmem:v0+s23+$0x0 ss:$0x1], $0xffff;
	s28 =	sor.u32 $0x1C0, s12  }
0x3f: {  	[tilespmem:v1+s31+$0x0 ss:$0x1] =	vst.idx.msk $0xffff, v56;
	s29 =	sor.u32 $0x1D0, s12;
	v62 =	vld.idx.msk [tilespmem:v0+s28+$0x0 ss:$0x1], $0xffff  }
0x40: {  	s30 =	sor.u32 $0x1E0, s12;
	[tilespmem:v1+s22+$0x0 ss:$0x1] =	vst.idx.msk $0xffff, v58;
	v63 =	vld.idx.msk [tilespmem:v0+s29+$0x0 ss:$0x1], $0xffff  }
0x41: {  	s31 =	sor.u32 $0x1F0, s12;
	[tilespmem:v1+s12+$0x0 ss:$0x1] =	vst.idx.msk $0xffff, v2;
	v2 =	vld.idx.msk [tilespmem:v0+s30+$0x0 ss:$0x1], $0xffff  }
0x42: {  	p2 =	por p1, p1;
	[tilespmem:v1+s25+$0x0 ss:$0x1] =	vst.idx.msk $0xffff, v3;
	v3 =	vld.idx.msk [tilespmem:v0+s31+$0x0 ss:$0x1], $0xffff  }
.Ltmp3:
0x43: {  	[tilespmem:v1+s23+$0x0 ss:$0x1] =	vst.idx.msk $0xffff, v59;
	(pc) =	sbr.rel @p2 .LBB2_3-.Ltmp3, $4  }
0x44: {  	[tilespmem:v1+s28+$0x0 ss:$0x1] =	vst.idx.msk $0xffff, v62  }
0x45: {  	[tilespmem:v1+s29+$0x0 ss:$0x1] =	vst.idx.msk $0xffff, v63  }
0x46: {  	[tilespmem:v1+s30+$0x0 ss:$0x1] =	vst.idx.msk $0xffff, v2  }
0x47: {  	p1 =	por $0x0, $0x0;
	s12 =	simm.s32 $0x200;
	[tilespmem:v1+s31+$0x0 ss:$0x1] =	vst.idx.msk $0xffff, v3  }
.Ltmp4:
0x48: {  	(pc) =	sbr.rel .LBB2_5-.Ltmp4, $4  }
0x49: {  	_ = 	snop  }
0x4a: {  	s10 =	sshrl.u32 s10, $0x3  }
0x4b: {  	s10 =	sadd.s32 s3, s10  }
0x4c: {  	[hbm4b:s10+s8] =	stream.linear.scatter [tilespmem:s11], [sflag:$0x2], $0x400, $0x38;
	[tilespmem:$0x1000] =	vst v63  }
.LBB2_6:
0x4d: {  	_ =	sfence.sel $0x180000  }
0x4e: {  	s2 =	simm.s32 $0x1;
	[bflag:$0x0] =	sbarrier.arrive $0xFFFF  }
0x4f: {  	s31 =	simm.s32 $0x2;
	[sflag:s2] =	ssyncpa.u1 $0x1  }
0x50: {  	[sflag:s31] =	ssyncpa.u1 $0x1  }
0x51: {  	_ =	strace $0x9000004D  }
0x52: {  	s0 =	sadd.s32 @!p0 $0x100000, s0;
	[bflag:$0x2] =	sbarrier.arrive $0xFFFF  }
0x53: {  	[sflag:s0] =	ssyncadd.tile.s32 @!p0 $0x1;
	s0 =	simm.s32 @!p0 $0x3F  }
0x54: {  	_ =	swait.ge @!p0 [sflag:s0], s1  }
0x55: {  	s1 =	ssub.s32 @!p0 $0x0, s1;
	[sflag:s0] =	ssyncset.done @!p0 $0x0  }
0x56: {  	[sflag:s0] =	ssyncadd.s32 @!p0 s1  }
0x57: {  	[bflag:$0x3] =	sbarrier.arrive $0xFFFF  }
0x58: {  	_ =	shalt  }
.Lfunc_end2:
execute1_lowered:
.L_overlay_start_2:
0x59: {  	(tag) =	ssettag $0x2  }
0x5a: {  	s0 =	rddreg [dreg:$0x0];
	_ =	strace $0x80000050;
	s3 =	simm.s32 $0x1  }
0x5b: {  	v1 =	vimm.s32 $0xFFFFFFFF;
	[sflag:s3] =	ssyncpa.u1 $0x0  }
0x5c: {  	[tilespmem:$0x10] =	vst v1  }
0x5d: {  	v0 =	vimm.f32 $0.0e+00;
	[tilespmem:$0x20] =	vst v1  }
0x5e: {  	[tilespmem:$0x30] =	vst v0  }
0x5f: {  	s2 =	simm.s32 $0x2;
	s6 =	simm.s32 $0x7;
	s26 =	stileid.u32;
	[tilespmem:$0x40] =	vst v0  }
0x60: {  	s7 =	simm.s32 $0x8;
	s31 =	simm.s32 $0x9;
	s14 =	simm.s32 $0x0;
	[tilespmem:$0x50] =	vst v0  }
0x61: {  	s15 =	simm.s32 $0x100;
	s18 =	simm.s32 $0x10;
	s19 =	simm.s32 $0xA00;
	[tilespmem:$0x60] =	vst v1  }
0x62: {  	s20 =	simm.s32 $0xF;
	s21 =	simm.s32 $0x50;
	s22 =	simm.s32 $0x4FF;
	[tilespmem:$0x70] =	vst v1  }
0x63: {  	s23 =	simm.s32 $0x20;
	s24 =	simm.s32 $0x30;
	s25 =	simm.s32 $0x8FF;
	[tilespmem:$0x80] =	vst v1  }
0x64: {  	s30 =	simm.s32 $0x0;
	s1 =	sadd.s32 $0x430E00, s0;
	s4 =	sadd.s32 $0x430200, s0;
	v1 =	vimm.s32 $0x0;
	[tilespmem:$0xB0] =	vst v0  }
.Ltmp5:
0x65: {  	s29 =	simm.s32 $0x0;
	s5 =	sadd.s32 $0x430400, s0;
	[tilespmem:$0x90] =	vst v1;
	(pc) =	sbr.rel .LBB3_1-.Ltmp5, $4  }
0x66: {  	s8 =	sshll.u32 s26, $0x8;
	s10 =	sshll.u32 s26, $0x1;
	[tilespmem:$0xA0] =	vst v1;
	[sflag:s2] =	ssyncpa.u1 $0x0  }
0x67: {  	s12 =	sshllo.u32 s26, $0x1;
	s26 =	simm.s32 $0x80;
	[sflag:s6] =	ssyncpa.u1 $0x0  }
0x68: {  	vm0 =	vmmov $0xffff;
	v2 =	vlaneseq.u32;
	s9 =	sadd.s32 $0x100, s8;
	s11 =	sor.u32 $0x81, s10;
	[sflag:s7] =	ssyncpa.u1 $0x0  }
0x69: {  	vm1 =	vmxor vm1, vm1;
	vm2 =	vmmov $0x1;
	vm3 =	vcmask $0x3F3C;
	s13 =	sor.u32 $0x80, s10;
	s28 =	smov.u32 s8;
	[sflag:s31] =	ssyncpa.u1 $0x0  }
.LBB3_3:
0x6a: {  	s0 =	sshrl.u32 s28, $0x3  }
0x6b: {  	s2 =	sand.u32 $0x7, s28;
	s0 =	sadd.s32 s4, s0  }
0x6c: {  	[tilespmem:s15], [sflag:$0x7] =	stream.linear.gather [hbm4b:s0+s2], $0x100, $0x38;
	[tilespmem:$0xA20] =	vst v63  }
.LBB3_4:
0x6d: {  	s0 =	sadd.s32 $0x100, s28  }
0x6e: {  	s2 =	smov.u32 s8;
	s29 =	sadd.s32 $0x1, s29;
	p0 =	slt.s32 s0, s9  }
0x6f: {  	s2 =	smov.u32 @p0 s0;
	p0 =	sne.s32 s29, $0x4  }
.Ltmp6:
0x70: {  	_ = 	snop;
	(pc) =	sbr.rel @!p0 .LBB3_13-.Ltmp6, $2  }
0x71: {  	_ =	sdelay $0x2  }
0x72: {  	s30 =	smov.u32 s28;
	s28 =	smov.u32 s2  }
.LBB3_1:
0x73: {  	p0 =	sgt.s32 s29, $0x1  }
.Ltmp7:
0x74: {  	_ = 	snop;
	(pc) =	sbr.rel @p0 .LBB3_11-.Ltmp7, $1  }
0x75: {  	_ =	sdelay $0x3  }
0x76: {  	p0 =	seq.s32 s29, $0x0  }
.Ltmp8:
0x77: {  	_ = 	snop;
	(pc) =	sbr.rel @p0 .LBB3_3-.Ltmp8, $1  }
0x78: {  	_ =	sdelay $0x3  }
0x79: {  	_ =	swait.ge [sflag:s6], $0x100  }
0x7a: {  	[sflag:s6] =	ssyncset.done $0x0  }
0x7b: {  	[sflag:s6] =	ssyncadd.s32 $0xFFFFFF00;
	(ifvalue) =	ssetifvalue $0xFFFFFFFF;
	v3 =	vld.msk [tilespmem:s15+$0x0 ss:$0x1], $0xffff;
	_ =	sdelay $0x4  }
0x7c: {  	v4 =	vperm.xlane v3, v1  }
0x7d: {  	vm4 =	vlt.u32 v3, $0x4000  }
0x7e: {  	v3 =	vnsel vm4, $0xFFFFFFFE, v3;
	vm4 =	vlt.u32 v4, $0x4000  }
0x7f: {  	[tilespmem:$0x70] =	vst v3;
	v3 =	vnsel vm4, $0xFFFFFFFE, v4  }
0x80: {  	s17 =	simm.s32 $0x1F0;
	[tilespmem:$0x80] =	vst v3  }
0x81: {  	v3 =	vld.msk [tilespmem:s17+$0x0 ss:$0x1], $0xffff;
	_ =	sdelay $0x4  }
0x82: {  	(xrf1) =	vunique.msk.u32 $0xffff, v3;
	_ =	sdelay $0xd  }
0x83: {  	v4 =	vimm.s32 $0xFFFFFFFF;
	v5, _, _ =	vpop (xrf1)  }
0x84: {  	vm5 =	vne.s32 v3, v4;
	vm4 =	veq.s32 v5, v2  }
0x85: {  	vm6 =	vlt.u32 v3, $0x4000;
	vm4 =	vmand vm5, vm4  }
0x86: {  	vm4 =	vmand vm6, vm4  }
0x87: {  	v4 =	vnsel vm4, $0xFFFFFFFF, v3;
	_ =	sdelay $0x3  }
0x88: {  	s0 =	simm.s32 $0x4F0;
	(ifvalue) =	ssetifvalue $0xFFFFFFFF  }
0x89: {  	v3 =	vperm.xlane v3, v1;
	[tilespmem:s0], [sflag:$0x8] =	stream.indirect_vreg.gather [hbm4b:s1+s14], $0x1, v4, vm0, $0x4038;
	v4 =	vnsel vm6, $0xFFFFFFFE, v4;
	[tilespmem:$0xA20] =	vst v63  }
0x8a: {  	s2 =	simm.s32 $0x0;
	s16 =	simm.s32 $0x1E0;
	[tilespmem:s17+$0x0] =	vst v4  }
.LBB3_6:
0x8b: {  	v4 =	vld.msk [tilespmem:s16+$0x0 ss:$0x1], $0xffff;
	s2 =	sadd.s32 $0x10, s2;
	v5 =	vmov v3;
	s17 =	smov.u32 s16  }
0x8c: {  	p0 =	slt.u32 s2, $0xF0;
	_ =	sdelay $0x4  }
0x8d: {  	v3 =	vperm.xlane v4, v1;
	(xrf1) =	vunique.msk.u32 $0xffff, v4;
	_ =	sdelay $0xd  }
0x8e: {  	v6, _, _ =	vpop (xrf1)  }
0x8f: {  	vm5 =	vne.s32 v4, v5;
	vm4 =	veq.s32 v6, v2  }
0x90: {  	vm6 =	vlt.u32 v4, $0x4000;
	vm4 =	vmand vm5, vm4  }
0x91: {  	vm4 =	vmand vm6, vm4  }
0x92: {  	v4 =	vnsel vm4, $0xFFFFFFFF, v4  }
.Ltmp9:
0x93: {  	v5 =	vnsel vm6, $0xFFFFFFFE, v4;
	(pc) =	sbr.rel @p0 .LBB3_6-.Ltmp9, $3  }
0x94: {  	_ =	sdelay $0x1  }
0x95: {  	s16 =	sadd.s32 $0xFFFFFFF0, s16;
	s0 =	sadd.s32 $0xFFFFFFF0, s0;
	(ifvalue) =	ssetifvalue $0xFFFFFFFF  }
0x96: {  	[tilespmem:s0], [sflag:$0x8] =	stream.indirect_vreg.gather [hbm4b:s1+s14], $0x1, v4, vm0, $0x4038;
	[tilespmem:s17+$0x0] =	vst v5  }
.Ltmp10:
0x97: {  	(pc) =	sbr.rel .LBB3_4-.Ltmp10, $4  }
0x98: {  	_ = 	snop  }
0x99: {  	s0 =	sshrl.u32 s30, $0x3  }
0x9a: {  	s2 =	simm.s32 $0x600;
	s0 =	sadd.s32 s5, s0  }
0x9b: {  	[tilespmem:s2], [sflag:$0x8] =	stream.linear.gather [hbm:s0], $0x100, $0x38;
	[tilespmem:$0xA20] =	vst v63  }
.LBB3_11:
0x9c: {  	p0 =	seq.s32 s29, $0x2  }
.Ltmp11:
0x9d: {  	_ = 	snop;
	(pc) =	sbr.rel @!p0 .LBB3_12-.Ltmp11, $1  }
0x9e: {  	_ =	sdelay $0x3  }
0x9f: {  	_ =	swait.ge [sflag:s7], $0x200  }
0xa0: {  	[sflag:s7] =	ssyncset.done $0x0  }
0xa1: {  	s0 =	simm.s32 $0x1FF;
	[sflag:s7] =	ssyncadd.s32 $0xFFFFFE00  }
0xa2: {  	[spmem:s11] =	stream.linear.scatter [tilespmem:s0], [sflag:$0x1], $0x1, $0x38;
	[tilespmem:$0xA20] =	vst v63  }
0xa3: {  	_ =	swait.ge [sflag:s3], $0x1  }
0xa4: {  	[sflag:s3] =	ssyncset.done $0x0  }
0xa5: {  	[sflag:s3] =	ssyncadd.s32 $0xFFFFFFFF  }
0xa6: {  	v4 =	vld [tilespmem:$0x10]  }
0xa7: {  	v5 =	vld [tilespmem:$0x70]  }
0xa8: {  	v3 =	vld [tilespmem:$0x80];
	_ =	sdelay $0x2  }
0xa9: {  	(v2sf) =	vpush v4, $0x0  }
0xaa: {  	(v2sf) =	vpush v5, $0x0  }
0xab: {  	(v2sf) =	vpush v3, $0x0;
	_ =	sdelay $0xc  }
0xac: {  	s16 =	spop (v2sf)  }
0xad: {  	s2 =	spop (v2sf)  }
0xae: {  	s30 =	spop (v2sf)  }
0xaf: {  	p0 =	seq.s32 s16, s2;
	p1 =	seq.s32 s30, s16  }
0xb0: {  	p1 =	por p0, p1  }
0xb1: {  	v4 =	vpsel p1, $0xFFFFFFFF, v4  }
0xb2: {  	[tilespmem:s18+$0x0] =	vst.msk $0x1, v4  }
0xb3: {  	v4 =	vld [tilespmem:$0x30]  }
0xb4: {  	v5 =	vld [tilespmem:$0x600]  }
0xb5: {  	v6 =	vld [tilespmem:$0x40];
	_ =	sdelay $0x3  }
0xb6: {  	vm4 =	vmmov vm1;
	v5 =	vadd.f32 v5, v4  }
0xb7: {  	vm5 =	vmmov vm2;
	s31 =	simm.s32 $0x600;
	vm4 =	vmmov @p0 vm2;
	v4 =	vadd.f32 v6, v4  }
0xb8: {  	vm5 =	vmmov @p1 vm1;
	[tilespmem:s31+$0x0] =	vst.msk vm4, v5  }
0xb9: {  	[tilespmem:s19+$0x0] =	vst.msk vm5, v4  }
0xba: {  	v4 =	vld [tilespmem:$0x4F0];
	_ =	sdelay $0x3  }
0xbb: {  	v5 =	vimm.f32 $0.0e+00  }
0xbc: {  	v4 =	vshift.insert v4, v5, s20;
	_ =	sdelay $0x1  }
0xbd: {  	[tilespmem:s21+$0x0] =	vst.msk $0x1, v4  }
0xbe: {  	[tilespmem:s22+$0x0] =	vst.msk $0x1, v5  }
0xbf: {  	v4 =	vld [tilespmem:$0x1F0];
	_ =	sdelay $0x4  }
0xc0: {  	v4 =	vshift.insert v4, v1, s20;
	_ =	sdelay $0x1  }
0xc1: {  	[tilespmem:s23+$0x0] =	vst.msk $0x1, v4  }
0xc2: {  	s17 =	simm.s32 $0x100;
	v6 =	vld [tilespmem:s31+$0x0]  }
0xc3: {  	v7 =	vld [tilespmem:s17+$0x0];
	_ =	sdelay $0x3  }
0xc4: {  	v5 =	vadd.f32 v6, v5  }
0xc5: {  	vm4 =	vne.s32 v7, $0xFFFFFFFF  }
0xc6: {  	(xrf2) =	vadd.seg.scan.f32 vm4, v5;
	_ =	sdelay $0x3  }
0xc7: {  	s0 =	simm.s32 $0x400;
	v5 =	vperm.xlane v4, v1  }
0xc8: {  	v6 =	vld [tilespmem:s0+$0x0]  }
0xc9: {  	vm5 =	veq.s32 v7, v3;
	vm6 =	veq.s32 v7, v5  }
0xca: {  	vm7 =	vgt.u32 v7, $0xFFFFFFFD;
	vm6 =	vmor vm6, vm5  }
0xcb: {  	vm6 =	vmor vm6, vm7  }
0xcc: {  	v9 =	vld [tilespmem:$0xA0];
	v7 =	vsel vm6, $0xFFFFFFFF, v7  }
0xcd: {  	v10 =	vld [tilespmem:$0x90];
	v6 =	vsel vm5, $0x0, v6;
	v8, _, _ =	vpop (xrf2)  }
0xce: {  	v6 =	vadd.f32 v8, v6  }
0xcf: {  	s2 =	simm.s32 $0x800  }
0xd0: {  	vm4 =	vmand vm4, vm3;
	[tilespmem:s2+$0x0] =	vst v6;
	(ifvalue) =	ssetifvalue $0xFFFFFFFF  }
0xd1: {  	vm6 =	veq.s32 v9, $0x1;
	[hbm4b:s1+s14] =	stream.indirect_vreg.scatter [tilespmem:s2], [sflag:$0x2], $0x1, v7, vm0, $0x4038;
	v7 =	vsel vm4, $0x0, v8;
	[tilespmem:$0xA20] =	vst v63  }
0xd2: {  	s16 =	simm.s32 $0x0;
	s17 =	simm.s32 $0x110;
	vm4 =	vmor vm6, vm5;
	v6 =	vsel vm5, v8, v10;
	v7 =	vshift.insert v7, v0, s20  }
.LBB3_9:
0xd3: {  	v8 =	vld [tilespmem:s17+$0x0];
	s31 =	sadd.s32 $0x10, s31  }
0xd4: {  	s0 =	sadd.s32 $0x10, s0;
	v9 =	vld [tilespmem:s31+$0x0]  }
0xd5: {  	s16 =	sadd.s32 $0x10, s16;
	v10 =	vld [tilespmem:s0+$0x0]  }
0xd6: {  	p0 =	slt.u32 s16, $0xF0;
	_ =	sdelay $0x2  }
0xd7: {  	v7 =	vadd.f32 v9, v7  }
0xd8: {  	vm5 =	vne.s32 v8, $0xFFFFFFFF  }
0xd9: {  	vm6 =	vmand vm5, vm3;
	(xrf2) =	vadd.seg.scan.f32 vm5, v7;
	_ =	sdelay $0x5  }
0xda: {  	vm7 =	veq.s32 v8, v5;
	vm5 =	veq.s32 v8, v3  }
0xdb: {  	vm8 =	vgt.u32 v8, $0xFFFFFFFD;
	vm4 =	vmor vm4, vm5;
	vm7 =	vmor vm7, vm5  }
0xdc: {  	vm7 =	vmor vm7, vm8  }
0xdd: {  	v8 =	vsel vm7, $0xFFFFFFFF, v8  }
.Ltmp12:
0xde: {  	v7 =	vsel vm5, $0x0, v10;
	v9, _, _ =	vpop (xrf2);
	(pc) =	sbr.rel @p0 .LBB3_9-.Ltmp12, $4  }
0xdf: {  	v6 =	vsel vm5, v9, v6;
	v10 =	vadd.f32 v9, v7;
	v7 =	vsel vm6, $0x0, v9  }
0xe0: {  	s2 =	sadd.s32 $0x10, s2;
	v7 =	vshift.insert v7, v0, s20  }
0xe1: {  	s17 =	sadd.s32 $0x10, s17;
	[tilespmem:s2+$0x0] =	vst v10;
	(ifvalue) =	ssetifvalue $0xFFFFFFFF  }
0xe2: {  	[hbm4b:s1+s14] =	stream.indirect_vreg.scatter [tilespmem:s2], [sflag:$0x2], $0x1, v8, vm0, $0x4038;
	[tilespmem:$0xA20] =	vst v63  }
0xe3: {  	v3 =	vld [tilespmem:$0x8F0];
	_ =	sdelay $0x4  }
0xe4: {  	v3 =	vshift.insert v3, v0, s20;
	_ =	sdelay $0x1  }
0xe5: {  	[tilespmem:s24+$0x0] =	vst.msk $0x1, v3  }
0xe6: {  	v3 =	vsel vm4, $0x1, v1;
	[tilespmem:$0x90] =	vst v6  }
0xe7: {  	[tilespmem:$0xA0] =	vst v3  }
0xe8: {  	[spmem:s12] =	stream.linear.scatter [tilespmem:s25], [sflag:$0x1], $0x1, $0x38;
	[tilespmem:$0xA20] =	vst v63  }
0xe9: {  	v3 =	vmctz.xlane vm4;
	_ =	swait.ge [sflag:s3], $0x1  }
0xea: {  	(v2sf) =	vpush v4, $0x0  }
0xeb: {  	(v2sf) =	vpush v3, $0x0;
	_ =	sdelay $0xd  }
0xec: {  	s0 =	spop (v2sf)  }
0xed: {  	s2 =	spop (v2sf)  }
0xee: {  	[sflag:s3] =	ssyncset.done $0x0;
	p0 =	sne.s32 s30, s0;
	p1 =	slt.s32 s2, $0xF  }
0xef: {  	[sflag:s3] =	ssyncadd.s32 $0xFFFFFFFF;
	v3 =	vimm.s32 @!p0 $0xFFFFFFFF;
	s2 =	simm.s32 @!p1 $0xF  }
0xf0: {  	[tilespmem:$0x80] =	vst @!p0 v3;
	s31 =	sadd.s32 $0x90, s2  }
0xf1: {  	[spmem:s10] =	stream.linear.scatter [tilespmem:s31], [sflag:$0x1], $0x1, $0x38;
	[tilespmem:$0xA20] =	vst v63  }
0xf2: {  	_ =	swait.ge [sflag:s3], $0x1  }
0xf3: {  	[sflag:s3] =	ssyncset.done $0x0  }
0xf4: {  	[sflag:s3] =	ssyncadd.s32 $0xFFFFFFFF  }
0xf5: {  	[spmem:s13] =	stream.linear.scatter [tilespmem:s26], [sflag:$0x1], $0x1, $0x38;
	[tilespmem:$0xA20] =	vst v63  }
0xf6: {  	_ =	swait.ge [sflag:s3], $0x1  }
0xf7: {  	[sflag:s3] =	ssyncset.done $0x0  }
0xf8: {  	[sflag:s3] =	ssyncadd.s32 $0xFFFFFFFF;
	(ifvalue) =	ssetifvalue $0xFFFFFFFF;
	v3 =	vld [tilespmem:$0x10];
	_ =	sdelay $0x3  }
.Ltmp13:
0xf9: {  	_ = 	snop;
	(pc) =	sbr.rel .LBB3_4-.Ltmp13, $3  }
0xfa: {  	_ =	sdelay $0x1  }
0xfb: {  	(ifvalue) =	ssetifvalue $0xFFFFFFFF  }
0xfc: {  	[hbm4b:s1+s14] =	stream.indirect_vreg.scatter [tilespmem:s19], [sflag:$0x9], $0x1, v3, vm0, $0x4038;
	[tilespmem:$0xA20] =	vst v63  }
.LBB3_12:
0xfd: {  	s0 =	simm.s32 $0x2  }
0xfe: {  	_ =	swait.ge [sflag:s0], $0x100  }
0xff: {  	[sflag:s0] =	ssyncset.done $0x0  }
0x100: {  	s31 =	simm.s32 $0x9;
	[sflag:s0] =	ssyncadd.s32 $0xFFFFFF00  }
0x101: {  	_ =	swait.ge [sflag:s31], $0x10  }
0x102: {  	[sflag:s31] =	ssyncset.done $0x0  }
0x103: {  	[sflag:s31] =	ssyncadd.s32 $0xFFFFFFF0  }
.LBB3_13:
0x104: {  	_ =	sfence.sel $0x180000  }
0x105: {  	s0 =	simm.s32 $0x7;
	[bflag:$0x0] =	sbarrier.arrive $0xFFFF  }
0x106: {  	s26 =	simm.s32 $0x8;
	[sflag:s0] =	ssyncpa.u1 $0x1  }
0x107: {  	s28 =	simm.s32 $0x9;
	[sflag:s26] =	ssyncpa.u1 $0x1  }
0x108: {  	[sflag:s28] =	ssyncpa.u1 $0x1  }
0x109: {  	_ =	sfence.stream.spmem  }
0x10a: {  	s29 =	simm.s32 $0x3;
	[bflag:$0x0] =	sbarrier.arrive $0xFFFF  }
0x10b: {  	s30 =	simm.s32 $0x4;
	[sflag:s29] =	ssyncpa.u1 $0x1  }
0x10c: {  	s31 =	simm.s32 $0x3C;
	s2 =	stileid.u32;
	[sflag:s30] =	ssyncpa.u1 $0x1  }
0x10d: {  	p0 =	sne.s32 s2, $0x0;
	[sflag:s31] =	ssyncpa.u1 $0x1  }
0x10e: {  	s0 =	simm.s32 @p0 $0x1;
	_ =	sfence @p0  }
0x10f: {  	[sflag:s0] =	ssyncpa.u1 @p0 $0x1;
	s0 =	simm.s32 @p0 $0x2  }
0x110: {  	[sflag:s0] =	ssyncpa.u1 @p0 $0x1  }
0x111: {  	_ =	strace @p0 $0x90000050  }
0x112: {  	[bflag:$0x2] =	sbarrier.arrive @p0 $0xFFFF  }
0x113: {  	_ =	shalt @p0  }
.LBB3_14:
0x114: {  	_ =	sfence.stream.spmem;
	s0 =	simm.s32 $0x5  }
0x115: {  	s2 =	simm.s32 $0x80;
	s3 =	simm.s32 $0xC0;
	[sflag:s0] =	ssyncpa.u1 $0x0  }
0x116: {  	[tilespmem:s3], [sflag:$0x5] =	stream.linear.gather [spmem:s2], $0x20, $0x38;
	[tilespmem:$0xA20] =	vst v63  }
0x117: {  	s2 =	simm.s32 $0x0;
	s3 =	simm.s32 $0xE0  }
0x118: {  	[tilespmem:s3], [sflag:$0x5] =	stream.linear.gather [spmem:s2], $0x20, $0x38;
	[tilespmem:$0xA20] =	vst v63  }
.Ltmp14:
0x119: {  	_ = 	snop;
	(pc) =	sbr.rel .LBB3_15-.Ltmp14, $4  }
0x11a: {  	_ =	swait.ge [sflag:s0], $0x40  }
0x11b: {  	[sflag:s0] =	ssyncset.done $0x0  }
0x11c: {  	s31 =	simm.s32 $0x6;
	[sflag:s0] =	ssyncadd.s32 $0xFFFFFFC0  }
0x11d: {  	s4 =	simm.s32 $0x0;
	[sflag:s31] =	ssyncpa.u1 $0x0  }
.LBB3_20:
0x11e: {  	p0 =	sgt.u32 s0, $0x3FFF  }
0x11f: {  	s5 =	sshrl.u32 @!p0 s0, $0x3  }
0x120: {  	s0 =	sand.u32 @!p0 $0x7, s0;
	s6 =	simm.s32 @!p0 $0xB0;
	s5 =	sadd.s32 @!p0 s1, s5  }
0x121: {  	[tilespmem:s6], [sflag:$0x6] =	stream.linear.gather @!p0 [hbm4b:s5+s0], $0x1, $0x38;
	[tilespmem:$0xA20] =	vst v63  }
0x122: {  	s0 =	simm.s32 @!p0 $0x6  }
0x123: {  	_ =	swait.ge @!p0 [sflag:s0], $0x1  }
0x124: {  	[sflag:s0] =	ssyncset.done @!p0 $0x0  }
0x125: {  	[sflag:s0] =	ssyncadd.s32 @!p0 $0xFFFFFFFF  }
0x126: {  	v2 =	vmov @!p0 s4;
	v1 =	vld.msk @!p0 [tilespmem:$0xB0], $0x1;
	_ =	sdelay $0x3  }
0x127: {  	s0 =	simm.s32 @!p0 $0xE0  }
0x128: {  	[tilespmem:v2+s0+$0x0], v1 =	vst.idx.ret.add.f32.msk @!p0 $0x1, v1  }
0x129: {  	[tilespmem:s2+$0xC0] =	vst.msk $0x1, v0  }
0x12a: {  	v0 =	vld.msk [tilespmem:s4+$0xE0], $0x1;
	_ =	sdelay $0x4  }
0x12b: {  	[tilespmem:s2+$0xE0] =	vst.msk $0x1, v0;
	s2 =	sadd.s32 $0x1, s2  }
.LBB3_22:
0x12c: {  	s4 =	sadd.s32 $0x1, s4  }
0x12d: {  	p0 =	sne.s32 s4, $0x20  }
.Ltmp15:
0x12e: {  	_ = 	snop;
	(pc) =	sbr.rel @!p0 .LBB3_23-.Ltmp15, $1  }
0x12f: {  	_ =	sdelay $0x3  }
.LBB3_15:
0x130: {  	v0 =	vld.msk [tilespmem:s4+$0xC0], $0x1;
	_ =	sdelay $0x4  }
0x131: {  	(v2sf) =	vpush v0, $0x0;
	_ =	sdelay $0xe  }
0x132: {  	s0 =	spop (v2sf)  }
0x133: {  	p0 =	seq.s32 s0, $0xFFFFFFFF  }
.Ltmp16:
0x134: {  	_ = 	snop;
	(pc) =	sbr.rel @p0 .LBB3_22-.Ltmp16, $1  }
0x135: {  	_ =	sdelay $0x3  }
0x136: {  	p0 =	slt.s32 s2, $0x1  }
.Ltmp17:
0x137: {  	_ = 	snop;
	(pc) =	sbr.rel @p0 .LBB3_20-.Ltmp17, $1  }
0x138: {  	_ =	sdelay $0x3  }
0x139: {  	s5 =	simm.s32 $0xC0;
	p0 =	por $0x0, $0x0  }
0x13a: {  	v1 =	vld.msk @!p0 [tilespmem:s5+$0x0], $0x1;
	_ =	sdelay $0x4  }
0x13b: {  	(v2sf) =	vpush @!p0 v1, $0x0;
	_ =	sdelay $0xd  }
0x13c: {  	p2 =	sne.s32 s2, $0x1  }
.Ltmp18:
0x13d: {  	s6 =	spop @!p0 (v2sf);
	(pc) =	sbr.rel @!p2 .LBB3_19-.Ltmp18, $4  }
0x13e: {  	p1 =	seq.s32 @!p0 s0, s6  }
0x13f: {  	s6 =	simm.s32 $0x0;
	p1 =	por !p1, p0  }
0x140: {  	s8 =	simm.s32 $0xFFFFFFFF;
	s6 =	simm.s32 @p1 $0xFFFFFFFF  }
0x141: {  	s7 =	simm.s32 $0x1;
	s6 =	smov.u32 @p0 s8  }
.LBB3_18:
0x142: {  	s8 =	smov.u32 s6;
	p0 =	sne.s32 s6, $0xFFFFFFFF  }
0x143: {  	s5 =	sadd.s32 $0x1, s5;
	s6 =	smov.u32 s7;
	s7 =	sadd.s32 $0x1, s7  }
0x144: {  	p1 =	sne.s32 s2, s7;
	v1 =	vld.msk @!p0 [tilespmem:s5+$0x0], $0x1;
	_ =	sdelay $0x4  }
0x145: {  	(v2sf) =	vpush @!p0 v1, $0x0;
	_ =	sdelay $0xe  }
.Ltmp19:
0x146: {  	s9 =	spop @!p0 (v2sf);
	(pc) =	sbr.rel @p1 .LBB3_18-.Ltmp19, $4  }
0x147: {  	p2 =	seq.s32 @!p0 s0, s9  }
0x148: {  	p2 =	por !p2, p0  }
0x149: {  	s6 =	simm.s32 @p2 $0xFFFFFFFF  }
0x14a: {  	s6 =	smov.u32 @p0 s8  }
.LBB3_19:
0x14b: {  	p0 =	sne.s32 s6, $0xFFFFFFFF  }
.Ltmp20:
0x14c: {  	_ = 	snop;
	(pc) =	sbr.rel @!p0 .LBB3_20-.Ltmp20, $1  }
0x14d: {  	_ =	sdelay $0x3  }
0x14e: {  	v0 =	vld.msk [tilespmem:s4+$0xE0], $0x1;
	v1 =	vmov s6  }
.Ltmp21:
0x14f: {  	_ = 	snop;
	(pc) =	sbr.rel .LBB3_22-.Ltmp21, $2  }
0x150: {  	_ =	sdelay $0x2  }
0x151: {  	[tilespmem:v1+s3+$0x0], v0 =	vst.idx.ret.add.f32.msk $0x1, v0  }
.LBB3_23:
0x152: {  	p0 =	slt.s32 s2, $0x1  }
.Ltmp22:
0x153: {  	_ = 	snop;
	(pc) =	sbr.rel @p0 .LBB3_27-.Ltmp22, $3  }
0x154: {  	_ =	sdelay $0x1  }
0x155: {  	s0 =	simm.s32 $0x6  }
0x156: {  	[sflag:s0] =	ssyncpa.u1 $0x1;
	s0 =	simm.s32 $0x0  }
0x157: {  	s3 =	simm.s32 $0xC0  }
0x158: {  	v0 =	vld.msk [tilespmem:s3+$0x0], $0x1;
	_ =	sdelay $0x4  }
0x159: {  	(v2sf) =	vpush v0, $0x0;
	_ =	sdelay $0xe  }
0x15a: {  	s2 =	sadd.s32 $0xFFFFFFFF, s2;
	s4 =	spop (v2sf)  }
0x15b: {  	p1 =	sne.s32 s2, $0x0;
	p0 =	sgt.u32 s4, $0x3FFF  }
.Ltmp23:
0x15c: {  	s5 =	sshrl.u32 @!p0 s4, $0x3;
	(pc) =	sbr.rel @!p1 .LBB3_26-.Ltmp23, $4  }
0x15d: {  	s3 =	simm.s32 $0xE0;
	s4 =	sand.u32 @!p0 $0x7, s4;
	s5 =	sadd.s32 @!p0 s1, s5  }
0x15e: {  	[hbm4b:s5+s4] =	stream.linear.scatter @!p0 [tilespmem:s3], [sflag:$0x5], $0x1, $0x38;
	[tilespmem:$0xA20] =	vst v63  }
0x15f: {  	s5 =	simm.s32 $0x0  }
0x160: {  	s4 =	simm.s32 $0xC1;
	s5 =	simm.s32 @!p0 $0x4  }
.LBB3_25:
0x161: {  	v0 =	vld.msk [tilespmem:s4+$0x0], $0x1;
	s2 =	sadd.s32 $0xFFFFFFFF, s2;
	s0 =	sadd.s32 s0, s5  }
0x162: {  	p0 =	sne.s32 s2, $0x0;
	_ =	sdelay $0x3  }
0x163: {  	(v2sf) =	vpush v0, $0x0;
	_ =	sdelay $0xe  }
.Ltmp24:
0x164: {  	s6 =	spop (v2sf);
	(pc) =	sbr.rel @p0 .LBB3_25-.Ltmp24, $4  }
0x165: {  	s5 =	simm.s32 $0x0;
	p1 =	sgt.u32 s6, $0x3FFF  }
0x166: {  	s3 =	sadd.s32 $0x1, s3;
	s5 =	simm.s32 @!p1 $0x4;
	s7 =	sshrl.u32 @!p1 s6, $0x3  }
0x167: {  	s4 =	sadd.s32 $0x1, s4;
	s6 =	sand.u32 @!p1 $0x7, s6;
	s7 =	sadd.s32 @!p1 s1, s7  }
0x168: {  	[hbm4b:s7+s6] =	stream.linear.scatter @!p1 [tilespmem:s3], [sflag:$0x5], $0x1, $0x38;
	[tilespmem:$0xA20] =	vst v63  }
.LBB3_26:
0x169: {  	s0 =	sadd.s32 s0, s5  }
0x16a: {  	s0 =	sshrl.u32 s0, $0x2  }
.LBB3_27:
0x16b: {  	s1 =	simm.s32 $0x5  }
0x16c: {  	_ =	swait.ge [sflag:s1], s0  }
0x16d: {  	s28 =	ssub.s32 $0x0, s0;
	[sflag:s1] =	ssyncset.done $0x0  }
0x16e: {  	[sflag:s1] =	ssyncadd.s32 s28  }
0x16f: {  	[sflag:s1] =	ssyncpa.u1 $0x1  }
0x170: {  	s29 =	simm.s32 $0x1;
	_ =	sfence  }
0x171: {  	s30 =	simm.s32 $0x2;
	[sflag:s29] =	ssyncpa.u1 $0x1  }
0x172: {  	[sflag:s30] =	ssyncpa.u1 $0x1  }
0x173: {  	_ =	strace $0x90000050  }
0x174: {  	[bflag:$0x2] =	sbarrier.arrive $0xFFFF  }
0x175: {  	s31 =	rddreg [dreg:$0x1]  }
0x176: {  	s0 =	sadd.s32 $0x100000, s31  }
0x177: {  	[sflag:s0] =	ssyncadd.tile.s32 $0x1;
	_ =	shalt  }
.Lfunc_end3:
_tile_overlayer_lowered:
.L_overlay_start_3:
0x178: {  	(tag) =	ssettag $0x3  }
0x179: {  	s0 =	rddreg [dreg:$0x0];
	s2 =	stileid.u32  }
0x17a: {  	s1 =	rddreg [dreg:$0x1];
	p0 =	sne.s32 s2, $0x0  }
0x17b: {  	s3 =	rddreg [dreg:$0x2];
	[bflag:$0x3] =	sbarrier.arrive $0xFFFF;
	s2 =	simm.s32 @!p0 $0x1C01  }
0x17c: {  	[timem:s3], [sflag:s2] =	dma.local @!p0 [hbm:s0], s1  }
0x17d: {  	s0 =	simm.s32 @!p0 $0x1  }
0x17e: {  	_ =	swait.ge @!p0 [sflag:s0], s1  }
0x17f: {  	s1 =	ssub.s32 @!p0 $0x0, s1;
	[sflag:s0] =	ssyncset.done @!p0 $0x0  }
0x180: {  	[sflag:s0] =	ssyncadd.s32 @!p0 s1  }
0x181: {  	[bflag:$0x3] =	sbarrier.arrive $0xFFFF  }
0x182: {  	_ =	shalt  }

</sc_bundles>
